<compile_context>
chip_gen: v7x
topology: tpu7x:2x2x1
jax: 0.10.2.dev20260603
libtpu: 0.0.44.dev20260713+nightly
codegen_flags: <defaults>
</compile_context>

<pallas_src>
import functools

import jax
import jax.numpy as jnp
from jax import lax
from jax.experimental import pallas as pl
from jax.experimental.pallas import tpu as pltpu
from jax.experimental.pallas import tpu_sc as plsc

_LANES = 16
_TILES = 16
_CORES = 2
_C = 128
_NBUF = 3


def _spmm_pass(tab, colv, rowv, valv, gbufs, acc, gsems, ssems, nch, fh):

    def issue_gather(k, u):
        pltpu.async_copy(tab.at[colv.at[k]], gbufs.at[u], gsems[u])

    def wait_gather(u):
        pltpu.make_async_copy(
            tab.at[pl.ds(0, _C)], gbufs.at[u], gsems[u]).wait()

    def wait_scatter(u):
        pass

    def chunk_work(k, u):
        wait_gather(u)

        def group_body(g, c2):
            vg = valv[k, pl.ds(g * _LANES, _LANES)]
            for e in range(_LANES):
                sc = vg[e]
                r = g * _LANES + e
                for j in range(fh // _LANES):
                    sl = pl.ds(j * _LANES, _LANES)
                    gbufs[u, r, sl] = gbufs[u, r, sl] * sc
            return c2


        pass

    for u in range(_NBUF):
        issue_gather(u, u)

    def block_body(t, carry):
        k0 = t * _NBUF
        for u in range(_NBUF):
            chunk_work(k0 + u, u)
        for u in range(_NBUF):
            wait_scatter(u)
            issue_gather(k0 + _NBUF + u, u)
        return carry

    lax.fori_loop(0, nch // _NBUF - 1, block_body, 0)

    k0 = nch - _NBUF
    for u in range(_NBUF):
        chunk_work(k0 + u, u)
    for u in range(_NBUF):
        wait_scatter(u)


def _sc_cheb_spmm(cols3, rows3, vals3, xs_flat, np_pad, fh, nch):
    stripe = np_pad // _TILES
    mesh = plsc.VectorSubcoreMesh(
        core_axis_name="c", subcore_axis_name="s",
        num_cores=_CORES, num_subcores=_TILES,
    )

    @functools.partial(
        pl.kernel,
        out_type=[
            jax.ShapeDtypeStruct((_CORES * np_pad, fh), jnp.float32),
            jax.ShapeDtypeStruct((_CORES * np_pad, fh), jnp.float32),
        ],
        mesh=mesh,
        compiler_params=pltpu.CompilerParams(use_tc_tiling_on_sc=False),
        scratch_types=[
            pltpu.VMEM((nch, _C), jnp.int32),
            pltpu.VMEM((nch, _C), jnp.int32),
            pltpu.VMEM((nch, _C), jnp.float32),
            pltpu.VMEM((_NBUF, _C, 2 * fh), jnp.float32),
                        pltpu.VMEM_SHARED((np_pad // 2, fh), jnp.float32),
        ] + [pltpu.SemaphoreType.DMA] * (2 * _NBUF),
    )
    def body(cols_h, rows_h, vals_h, xs_h, s1_h, s2_h,
             colv, rowv, valv, gbufs, acc, *sems):
        tab = xs_h
        gsems = sems[:_NBUF]
        ssems = sems[_NBUF:]
        c = lax.axis_index("c")
        s = lax.axis_index("s")
        base = s * stripe

        pltpu.sync_copy(cols_h.at[s], colv)
        pltpu.sync_copy(rows_h.at[s], rowv)
        pltpu.sync_copy(vals_h.at[s], valv)

        def zero_acc_stripe():
            def zero_row(i, carry):
                for j in range(fh // _LANES):
                    gbufs[0, i, pl.ds(j * _LANES, _LANES)] = jnp.zeros(
                        (_LANES,), jnp.float32)
                return carry

            lax.fori_loop(0, _C, zero_row, 0)
            for kk in range(stripe // _C):
                pltpu.sync_copy(gbufs.at[0], acc.at[pl.ds(base + kk * _C, _C)])

        plsc.subcore_barrier()

        _spmm_pass(tab, colv, rowv, valv, gbufs, acc, gsems, ssems, nch, fh)
        plsc.subcore_barrier()

        for kk in range(stripe // _C):
            sl = pl.ds(base + kk * _C, _C)
            pass
        plsc.subcore_barrier()

        _spmm_pass(tab, colv, rowv, valv, gbufs, acc, gsems, ssems, nch, fh)
        plsc.subcore_barrier()

        for kk in range(stripe // _C):
            pltpu.sync_copy(
                acc.at[pl.ds(kk * _C, _C)],
                s2_h.at[pl.ds(c * np_pad + base + kk * _C, _C)])

    return body(cols3, rows3, vals3, xs_flat)


def _combine_body(x_ref, s1_ref, s2_ref, w_ref, b_ref, o_ref):
    acc = jnp.dot(x_ref[0], w_ref[0], preferred_element_type=jnp.float32)
    acc += jnp.dot(x_ref[1], w_ref[1], preferred_element_type=jnp.float32)
    acc += jnp.dot(s1_ref[0], w_ref[2], preferred_element_type=jnp.float32)
    acc += jnp.dot(s1_ref[1], w_ref[3], preferred_element_type=jnp.float32)
    acc += jnp.dot(s2_ref[0], w_ref[4], preferred_element_type=jnp.float32)
    acc += jnp.dot(s2_ref[1], w_ref[5], preferred_element_type=jnp.float32)
    o_ref[...] = acc + b_ref[...]


def _tc_combine(xs3, s1s, s2s, wb, bb, np_pad, fh, outf, bm):
    grid = (np_pad // bm,)
    return pl.pallas_call(
        _combine_body,
        grid=grid,
        in_specs=[
            pl.BlockSpec((2, bm, fh), lambda i: (0, i, 0)),
            pl.BlockSpec((2, bm, fh), lambda i: (0, i, 0)),
            pl.BlockSpec((2, bm, fh), lambda i: (0, i, 0)),
            pl.BlockSpec((6, fh, outf), lambda i: (0, 0, 0)),
            pl.BlockSpec((1, outf), lambda i: (0, 0)),
        ],
        out_specs=pl.BlockSpec((bm, outf), lambda i: (i, 0)),
        out_shape=jax.ShapeDtypeStruct((np_pad, outf), jnp.float32),
    )(xs3, s1s, s2s, wb, bb)


def kernel(x, laplacian_indices, laplacian_values, W, b):
    n, f = x.shape
    e = laplacian_values.shape[0]
    outf = W.shape[0]
    k = W.shape[1] // f
    assert k == 3 and f % (2 * _LANES) == 0
    fh = f // 2

    stripe = -(-n // (_TILES * _C)) * _C
    np_pad = _TILES * stripe
    ecb = _C * _NBUF
    ept = -(-e // (_TILES * ecb)) * ecb
    nch = ept // _C
    ep = _TILES * ept

    rows = jnp.pad(laplacian_indices[0], (0, ep - e)).reshape(_TILES, nch, _C)
    cols = jnp.pad(laplacian_indices[1], (0, ep - e)).reshape(_TILES, nch, _C)
    vals = jnp.pad(laplacian_values, (0, ep - e)).reshape(_TILES, nch, _C)

    xp = jnp.pad(x, ((0, np_pad - n), (0, 0)))
    xs_flat = jnp.concatenate([xp[:, :fh], xp[:, fh:]], axis=0)

    w0 = W[:, 0::3]
    w1 = W[:, 1::3]
    w2 = W[:, 2::3]
    a = (w0 - w2).T
    bt = w1.T
    ct = 2.0 * w2.T
    wb = jnp.stack([a[:fh], a[fh:], bt[:fh], bt[fh:], ct[:fh], ct[fh:]])

    s1_flat, s2_flat = _sc_cheb_spmm(cols, rows, vals, xp,
                                     np_pad, fh, nch)

    xs3 = xs_flat.reshape(2, np_pad, fh)
    s1s = s1_flat.reshape(2, np_pad, fh)
    s2s = s2_flat.reshape(2, np_pad, fh)

    outp = _tc_combine(xs3, s1s, s2s, wb, b.reshape(1, outf),
                       np_pad, fh, outf, bm=640)
    return outp[:n]

# --- scband reference (transcript-rebuilt; emitter-appended) ---
"""Pipeline reference for scband-cheb-net-conv-34531537059970 (READ-ONLY COPY).

The authoritative reference and input builder live on the scoring server;
editing this copy changes nothing except your own understanding.
"""

import jax, jax.numpy as jnp
import numpy as np

N = 10000
E = 320000
IN_F = 128
OUT_F = 128
K = 3


def setup_inputs(seed: int = 0) -> dict:
    key = jax.random.key(seed)
    k1, k2, k3, k4, k5 = jax.random.split(key, 5)
    x = jax.random.normal(k1, (N, IN_F), dtype=jnp.float32)
    # COO representation of the scaled sparse Laplacian [N, N] with E nonzeros
    lap_indices = jax.random.randint(k2, (2, E), 0, N, dtype=jnp.int32)
    lap_values = jax.random.normal(k3, (E,), dtype=jnp.float32) * 0.1
    # nn.Linear(in_features * k, out_features) parameters
    W = jax.random.normal(k4, (OUT_F, IN_F * K), dtype=jnp.float32) * 0.05
    b = jax.random.normal(k5, (OUT_F,), dtype=jnp.float32) * 0.05
    return {"x": x, "laplacian_indices": lap_indices, "laplacian_values": lap_values, "W": W, "b": b}


def reference(x, laplacian_indices, laplacian_values, W, b):
    rows = laplacian_indices[0]
    cols = laplacian_indices[1]

    def spmm(v):
        # (L @ v)_i = sum_{e: row[e]==i} vals[e] * v[col[e]]
        gathered = laplacian_values[:, None] * jnp.take(v, cols, axis=0)
        return jax.ops.segment_sum(gathered, rows, num_segments=N)

    x0 = x
    cheb = [x0]
    if K > 1:
        x1 = spmm(x0)
        cheb.append(x1)
        for _ in range(2, K):
            x2 = 2.0 * spmm(x1) - x0
            cheb.append(x2)
            x0, x1 = x1, x2
    # torch: cat along dim=2 then view(N, -1) -> feature-major interleave of K terms
    cheb_x = jnp.stack(cheb, axis=2).reshape(x.shape[0], -1)
    out = cheb_x @ W.T + b
    return out

if __name__ == "__main__":
    import jax
    _d = setup_inputs()
    print(jax.jit(kernel)(*tuple(_d.values())))

</pallas_src>

<mosaic_0001>
#map = affine_map<(d0, d1) -> (0, 0, 0)>
#map1 = affine_map<(d0, d1) -> (0, 0)>
module attributes {stable_mosaic.version = 14 : i64} {
  func.func @body(%arg0: i32, %arg1: i32, %arg2: memref<16x159x128xi32, #tpu.memory_space<hbm>>, %arg3: memref<16x159x128xi32, #tpu.memory_space<hbm>>, %arg4: memref<16x159x128xf32, #tpu.memory_space<hbm>>, %arg5: memref<10240x128xf32, #tpu.memory_space<hbm>>, %arg6: memref<20480x64xf32, #tpu.memory_space<hbm>>, %arg7: memref<20480x64xf32, #tpu.memory_space<hbm>>, %arg8: memref<159x128xi32, #tpu.memory_space<vmem>>, %arg9: memref<159x128xi32, #tpu.memory_space<vmem>>, %arg10: memref<159x128xf32, #tpu.memory_space<vmem>>, %arg11: memref<3x128x128xf32, #tpu.memory_space<vmem>>, %arg12: memref<5120x64xf32, #tpu.memory_space<vmem_shared>>, %arg13: memref<!tpu.dma_semaphore, #tpu.memory_space<semaphore_mem>>, %arg14: memref<!tpu.dma_semaphore, #tpu.memory_space<semaphore_mem>>, %arg15: memref<!tpu.dma_semaphore, #tpu.memory_space<semaphore_mem>>, %arg16: memref<!tpu.dma_semaphore, #tpu.memory_space<semaphore_mem>>, %arg17: memref<!tpu.dma_semaphore, #tpu.memory_space<semaphore_mem>>, %arg18: memref<!tpu.dma_semaphore, #tpu.memory_space<semaphore_mem>>) attributes {dimension_semantics = [#tpu.dimension_semantics<core_parallel>, #tpu.dimension_semantics<subcore_parallel>], iteration_bounds = array<i64: 2, 16>, scalar_prefetch = 0 : i64, scratch_operands = 11 : i64, tpu.core_type = #tpu.core_type<sc_vector_subcore>, window_params = [{transform_indices = #map}, {transform_indices = #map}, {transform_indices = #map}, {transform_indices = #map1}, {transform_indices = #map1}, {transform_indices = #map1}]} {
    %mul3A = arith.constant 640 : i32
    %mul3A_0 = arith.muli %arg1, %mul3A : i32
    "tpu.region"() ({
      %run_scoped3A = tpu.sem_alloc : memref<!tpu.dma_semaphore, #tpu.memory_space<semaphore_mem>>
      %dma_start3A_209 = arith.constant 0 : i32
      %dma_start3A_210 = arith.constant 0 : i32
      %dma_start3A_211 = tpu.memref_slice %arg2[%arg1, %dma_start3A_209, %dma_start3A_210] : memref<16x159x128xi32, #tpu.memory_space<hbm>> -> memref<1x159x128xi32, #tpu.memory_space<hbm>>
      %dma_start3A_212 = tpu.memref_squeeze %dma_start3A_211 : memref<1x159x128xi32, #tpu.memory_space<hbm>> -> memref<159x128xi32, #tpu.memory_space<hbm>>
      %dma_start3A_213 = arith.constant 0 : i32
      %dma_start3A_214 = arith.constant 0 : i32
      %dma_start3A_215 = tpu.memref_slice %arg2[%arg1, %dma_start3A_213, %dma_start3A_214] : memref<16x159x128xi32, #tpu.memory_space<hbm>> -> memref<1x159x128xi32, #tpu.memory_space<hbm>>
      %dma_start3A_216 = tpu.memref_squeeze %dma_start3A_215 : memref<1x159x128xi32, #tpu.memory_space<hbm>> -> memref<159x128xi32, #tpu.memory_space<hbm>>
      tpu.enqueue_dma source(%dma_start3A_216 : memref<159x128xi32, #tpu.memory_space<hbm>>) target(%arg8 : memref<159x128xi32, #tpu.memory_space<vmem>>) target_semaphore(%run_scoped3A : memref<!tpu.dma_semaphore, #tpu.memory_space<semaphore_mem>>)
      %dma_wait3A_217 = arith.constant 0 : i32
      %dma_wait3A_218 = arith.constant 0 : i32
      %dma_wait3A_219 = tpu.memref_slice %arg2[%arg1, %dma_wait3A_217, %dma_wait3A_218] : memref<16x159x128xi32, #tpu.memory_space<hbm>> -> memref<1x159x128xi32, #tpu.memory_space<hbm>>
      %dma_wait3A_220 = tpu.memref_squeeze %dma_wait3A_219 : memref<1x159x128xi32, #tpu.memory_space<hbm>> -> memref<159x128xi32, #tpu.memory_space<hbm>>
      %dma_wait3A_221 = arith.constant 0 : i32
      %dma_wait3A_222 = arith.constant 0 : i32
      %dma_wait3A_223 = tpu.memref_slice %arg2[%arg1, %dma_wait3A_221, %dma_wait3A_222] : memref<16x159x128xi32, #tpu.memory_space<hbm>> -> memref<1x159x128xi32, #tpu.memory_space<hbm>>
      %dma_wait3A_224 = tpu.memref_squeeze %dma_wait3A_223 : memref<1x159x128xi32, #tpu.memory_space<hbm>> -> memref<159x128xi32, #tpu.memory_space<hbm>>
      tpu.wait_dma2 semaphore(%run_scoped3A : memref<!tpu.dma_semaphore, #tpu.memory_space<semaphore_mem>>) src(%dma_wait3A_224 : memref<159x128xi32, #tpu.memory_space<hbm>>) dst(%arg8 : memref<159x128xi32, #tpu.memory_space<vmem>>)
      tpu.yield
    }) : () -> ()
    "tpu.region"() ({
      %run_scoped3A = tpu.sem_alloc : memref<!tpu.dma_semaphore, #tpu.memory_space<semaphore_mem>>
      %dma_start3A_209 = arith.constant 0 : i32
      %dma_start3A_210 = arith.constant 0 : i32
      %dma_start3A_211 = tpu.memref_slice %arg3[%arg1, %dma_start3A_209, %dma_start3A_210] : memref<16x159x128xi32, #tpu.memory_space<hbm>> -> memref<1x159x128xi32, #tpu.memory_space<hbm>>
      %dma_start3A_212 = tpu.memref_squeeze %dma_start3A_211 : memref<1x159x128xi32, #tpu.memory_space<hbm>> -> memref<159x128xi32, #tpu.memory_space<hbm>>
      %dma_start3A_213 = arith.constant 0 : i32
      %dma_start3A_214 = arith.constant 0 : i32
      %dma_start3A_215 = tpu.memref_slice %arg3[%arg1, %dma_start3A_213, %dma_start3A_214] : memref<16x159x128xi32, #tpu.memory_space<hbm>> -> memref<1x159x128xi32, #tpu.memory_space<hbm>>
      %dma_start3A_216 = tpu.memref_squeeze %dma_start3A_215 : memref<1x159x128xi32, #tpu.memory_space<hbm>> -> memref<159x128xi32, #tpu.memory_space<hbm>>
      tpu.enqueue_dma source(%dma_start3A_216 : memref<159x128xi32, #tpu.memory_space<hbm>>) target(%arg9 : memref<159x128xi32, #tpu.memory_space<vmem>>) target_semaphore(%run_scoped3A : memref<!tpu.dma_semaphore, #tpu.memory_space<semaphore_mem>>)
      %dma_wait3A_217 = arith.constant 0 : i32
      %dma_wait3A_218 = arith.constant 0 : i32
      %dma_wait3A_219 = tpu.memref_slice %arg3[%arg1, %dma_wait3A_217, %dma_wait3A_218] : memref<16x159x128xi32, #tpu.memory_space<hbm>> -> memref<1x159x128xi32, #tpu.memory_space<hbm>>
      %dma_wait3A_220 = tpu.memref_squeeze %dma_wait3A_219 : memref<1x159x128xi32, #tpu.memory_space<hbm>> -> memref<159x128xi32, #tpu.memory_space<hbm>>
      %dma_wait3A_221 = arith.constant 0 : i32
      %dma_wait3A_222 = arith.constant 0 : i32
      %dma_wait3A_223 = tpu.memref_slice %arg3[%arg1, %dma_wait3A_221, %dma_wait3A_222] : memref<16x159x128xi32, #tpu.memory_space<hbm>> -> memref<1x159x128xi32, #tpu.memory_space<hbm>>
      %dma_wait3A_224 = tpu.memref_squeeze %dma_wait3A_223 : memref<1x159x128xi32, #tpu.memory_space<hbm>> -> memref<159x128xi32, #tpu.memory_space<hbm>>
      tpu.wait_dma2 semaphore(%run_scoped3A : memref<!tpu.dma_semaphore, #tpu.memory_space<semaphore_mem>>) src(%dma_wait3A_224 : memref<159x128xi32, #tpu.memory_space<hbm>>) dst(%arg9 : memref<159x128xi32, #tpu.memory_space<vmem>>)
      tpu.yield
    }) : () -> ()
    "tpu.region"() ({
      %run_scoped3A = tpu.sem_alloc : memref<!tpu.dma_semaphore, #tpu.memory_space<semaphore_mem>>
      %dma_start3A_209 = arith.constant 0 : i32
      %dma_start3A_210 = arith.constant 0 : i32
      %dma_start3A_211 = tpu.memref_slice %arg4[%arg1, %dma_start3A_209, %dma_start3A_210] : memref<16x159x128xf32, #tpu.memory_space<hbm>> -> memref<1x159x128xf32, #tpu.memory_space<hbm>>
      %dma_start3A_212 = tpu.memref_squeeze %dma_start3A_211 : memref<1x159x128xf32, #tpu.memory_space<hbm>> -> memref<159x128xf32, #tpu.memory_space<hbm>>
      %dma_start3A_213 = arith.constant 0 : i32
      %dma_start3A_214 = arith.constant 0 : i32
      %dma_start3A_215 = tpu.memref_slice %arg4[%arg1, %dma_start3A_213, %dma_start3A_214] : memref<16x159x128xf32, #tpu.memory_space<hbm>> -> memref<1x159x128xf32, #tpu.memory_space<hbm>>
      %dma_start3A_216 = tpu.memref_squeeze %dma_start3A_215 : memref<1x159x128xf32, #tpu.memory_space<hbm>> -> memref<159x128xf32, #tpu.memory_space<hbm>>
      tpu.enqueue_dma source(%dma_start3A_216 : memref<159x128xf32, #tpu.memory_space<hbm>>) target(%arg10 : memref<159x128xf32, #tpu.memory_space<vmem>>) target_semaphore(%run_scoped3A : memref<!tpu.dma_semaphore, #tpu.memory_space<semaphore_mem>>)
      %dma_wait3A_217 = arith.constant 0 : i32
      %dma_wait3A_218 = arith.constant 0 : i32
      %dma_wait3A_219 = tpu.memref_slice %arg4[%arg1, %dma_wait3A_217, %dma_wait3A_218] : memref<16x159x128xf32, #tpu.memory_space<hbm>> -> memref<1x159x128xf32, #tpu.memory_space<hbm>>
      %dma_wait3A_220 = tpu.memref_squeeze %dma_wait3A_219 : memref<1x159x128xf32, #tpu.memory_space<hbm>> -> memref<159x128xf32, #tpu.memory_space<hbm>>
      %dma_wait3A_221 = arith.constant 0 : i32
      %dma_wait3A_222 = arith.constant 0 : i32
      %dma_wait3A_223 = tpu.memref_slice %arg4[%arg1, %dma_wait3A_221, %dma_wait3A_222] : memref<16x159x128xf32, #tpu.memory_space<hbm>> -> memref<1x159x128xf32, #tpu.memory_space<hbm>>
      %dma_wait3A_224 = tpu.memref_squeeze %dma_wait3A_223 : memref<1x159x128xf32, #tpu.memory_space<hbm>> -> memref<159x128xf32, #tpu.memory_space<hbm>>
      tpu.wait_dma2 semaphore(%run_scoped3A : memref<!tpu.dma_semaphore, #tpu.memory_space<semaphore_mem>>) src(%dma_wait3A_224 : memref<159x128xf32, #tpu.memory_space<hbm>>) dst(%arg10 : memref<159x128xf32, #tpu.memory_space<vmem>>)
      tpu.yield
    }) : () -> ()
    %barrier3A = arith.constant 0 : index
    tpu.barrier barrier_id(%barrier3A)
    %dma_start3A = arith.constant 0 : i32
    %dma_start3A_1 = arith.constant 0 : i32
    %dma_start3A_2 = arith.constant 0 : i32
    %dma_start3A_3 = arith.constant 0 : i32
    %dma_start3A_4 = tpu.memref_slice %arg11[%dma_start3A_1, %dma_start3A_2, %dma_start3A_3] : memref<3x128x128xf32, #tpu.memory_space<vmem>> -> memref<1x128x128xf32, #tpu.memory_space<vmem>>
    %dma_start3A_5 = tpu.memref_squeeze %dma_start3A_4 : memref<1x128x128xf32, #tpu.memory_space<vmem>> -> memref<128x128xf32, #tpu.memory_space<vmem>>
    %dma_start3A_6 = arith.constant 0 : i32
    %dma_start3A_7 = tpu.memref_slice %arg8[%dma_start3A, %dma_start3A_6] : memref<159x128xi32, #tpu.memory_space<vmem>> -> memref<1x128xi32, #tpu.memory_space<vmem>>
    %dma_start3A_8 = tpu.memref_squeeze %dma_start3A_7 : memref<1x128xi32, #tpu.memory_space<vmem>> -> memref<128xi32, #tpu.memory_space<vmem>>
    %dma_start3A_9 = arith.constant 0 : i32
    %dma_start3A_10 = arith.constant 0 : i32
    %dma_start3A_11 = tpu.memref_slice %arg5[%dma_start3A_9, %dma_start3A_10] : memref<10240x128xf32, #tpu.memory_space<hbm>> -> memref<10240x128xf32, #tpu.memory_space<hbm>>
    tpu.enqueue_indirect_dma source(%dma_start3A_11 : memref<10240x128xf32, #tpu.memory_space<hbm>>) target(%dma_start3A_5 : memref<128x128xf32, #tpu.memory_space<vmem>>) offsets(%dma_start3A_8 : memref<128xi32, #tpu.memory_space<vmem>>) semaphore(%arg13 : memref<!tpu.dma_semaphore, #tpu.memory_space<semaphore_mem>>)
    %dma_start3A_12 = arith.constant 1 : i32
    %dma_start3A_13 = arith.constant 1 : i32
    %dma_start3A_14 = arith.constant 0 : i32
    %dma_start3A_15 = arith.constant 0 : i32
    %dma_start3A_16 = tpu.memref_slice %arg11[%dma_start3A_13, %dma_start3A_14, %dma_start3A_15] : memref<3x128x128xf32, #tpu.memory_space<vmem>> -> memref<1x128x128xf32, #tpu.memory_space<vmem>>
    %dma_start3A_17 = tpu.memref_squeeze %dma_start3A_16 : memref<1x128x128xf32, #tpu.memory_space<vmem>> -> memref<128x128xf32, #tpu.memory_space<vmem>>
    %dma_start3A_18 = arith.constant 0 : i32
    %dma_start3A_19 = tpu.memref_slice %arg8[%dma_start3A_12, %dma_start3A_18] : memref<159x128xi32, #tpu.memory_space<vmem>> -> memref<1x128xi32, #tpu.memory_space<vmem>>
    %dma_start3A_20 = tpu.memref_squeeze %dma_start3A_19 : memref<1x128xi32, #tpu.memory_space<vmem>> -> memref<128xi32, #tpu.memory_space<vmem>>
    %dma_start3A_21 = arith.constant 0 : i32
    %dma_start3A_22 = arith.constant 0 : i32
    %dma_start3A_23 = tpu.memref_slice %arg5[%dma_start3A_21, %dma_start3A_22] : memref<10240x128xf32, #tpu.memory_space<hbm>> -> memref<10240x128xf32, #tpu.memory_space<hbm>>
    tpu.enqueue_indirect_dma source(%dma_start3A_23 : memref<10240x128xf32, #tpu.memory_space<hbm>>) target(%dma_start3A_17 : memref<128x128xf32, #tpu.memory_space<vmem>>) offsets(%dma_start3A_20 : memref<128xi32, #tpu.memory_space<vmem>>) semaphore(%arg14 : memref<!tpu.dma_semaphore, #tpu.memory_space<semaphore_mem>>)
    %dma_start3A_24 = arith.constant 2 : i32
    %dma_start3A_25 = arith.constant 2 : i32
    %dma_start3A_26 = arith.constant 0 : i32
    %dma_start3A_27 = arith.constant 0 : i32
    %dma_start3A_28 = tpu.memref_slice %arg11[%dma_start3A_25, %dma_start3A_26, %dma_start3A_27] : memref<3x128x128xf32, #tpu.memory_space<vmem>> -> memref<1x128x128xf32, #tpu.memory_space<vmem>>
    %dma_start3A_29 = tpu.memref_squeeze %dma_start3A_28 : memref<1x128x128xf32, #tpu.memory_space<vmem>> -> memref<128x128xf32, #tpu.memory_space<vmem>>
    %dma_start3A_30 = arith.constant 0 : i32
    %dma_start3A_31 = tpu.memref_slice %arg8[%dma_start3A_24, %dma_start3A_30] : memref<159x128xi32, #tpu.memory_space<vmem>> -> memref<1x128xi32, #tpu.memory_space<vmem>>
    %dma_start3A_32 = tpu.memref_squeeze %dma_start3A_31 : memref<1x128xi32, #tpu.memory_space<vmem>> -> memref<128xi32, #tpu.memory_space<vmem>>
    %dma_start3A_33 = arith.constant 0 : i32
    %dma_start3A_34 = arith.constant 0 : i32
    %dma_start3A_35 = tpu.memref_slice %arg5[%dma_start3A_33, %dma_start3A_34] : memref<10240x128xf32, #tpu.memory_space<hbm>> -> memref<10240x128xf32, #tpu.memory_space<hbm>>
    tpu.enqueue_indirect_dma source(%dma_start3A_35 : memref<10240x128xf32, #tpu.memory_space<hbm>>) target(%dma_start3A_29 : memref<128x128xf32, #tpu.memory_space<vmem>>) offsets(%dma_start3A_32 : memref<128xi32, #tpu.memory_space<vmem>>) semaphore(%arg15 : memref<!tpu.dma_semaphore, #tpu.memory_space<semaphore_mem>>)
    %scan3A = arith.constant 0 : i32
    %scan3A_36 = arith.constant 0 : i32
    %scan3A_37 = arith.constant 52 : i32
    %scan3A_38 = arith.addi %scan3A_36, %scan3A_37 : i32
    %scan3A_39 = arith.constant 1 : i32
    scf.for %scan3A_209 = %scan3A_36 to %scan3A_38 step %scan3A_39  : i32 {
      %mul3A_210 = arith.constant 3 : i32
      %mul3A_211 = arith.muli %scan3A_209, %mul3A_210 : i32
      %add3A_212 = arith.constant 0 : i32
      %add3A_213 = arith.addi %mul3A_211, %add3A_212 : i32
      %dma_wait3A_214 = arith.constant 0 : i32
      %dma_wait3A_215 = arith.constant 0 : i32
      %dma_wait3A_216 = arith.constant 0 : i32
      %dma_wait3A_217 = tpu.memref_slice %arg11[%dma_wait3A_214, %dma_wait3A_215, %dma_wait3A_216] : memref<3x128x128xf32, #tpu.memory_space<vmem>> -> memref<1x128x128xf32, #tpu.memory_space<vmem>>
      %dma_wait3A_218 = tpu.memref_squeeze %dma_wait3A_217 : memref<1x128x128xf32, #tpu.memory_space<vmem>> -> memref<128x128xf32, #tpu.memory_space<vmem>>
      %dma_wait3A_219 = arith.constant 0 : i32
      %dma_wait3A_220 = arith.constant 0 : i32
      %dma_wait3A_221 = tpu.memref_slice %arg5[%dma_wait3A_219, %dma_wait3A_220] : memref<10240x128xf32, #tpu.memory_space<hbm>> -> memref<128x128xf32, #tpu.memory_space<hbm>>
      %dma_wait3A_222 = arith.constant 0 : i32
      %dma_wait3A_223 = arith.constant 0 : i32
      %dma_wait3A_224 = tpu.memref_slice %arg11[%dma_wait3A_214, %dma_wait3A_222, %dma_wait3A_223] : memref<3x128x128xf32, #tpu.memory_space<vmem>> -> memref<1x128x128xf32, #tpu.memory_space<vmem>>
      %dma_wait3A_225 = tpu.memref_squeeze %dma_wait3A_224 : memref<1x128x128xf32, #tpu.memory_space<vmem>> -> memref<128x128xf32, #tpu.memory_space<vmem>>
      %dma_wait3A_226 = arith.constant 0 : i32
      %dma_wait3A_227 = arith.constant 0 : i32
      %dma_wait3A_228 = tpu.memref_slice %arg5[%dma_wait3A_226, %dma_wait3A_227] : memref<10240x128xf32, #tpu.memory_space<hbm>> -> memref<128x128xf32, #tpu.memory_space<hbm>>
      tpu.wait_dma2 semaphore(%arg13 : memref<!tpu.dma_semaphore, #tpu.memory_space<semaphore_mem>>) src(%dma_wait3A_228 : memref<128x128xf32, #tpu.memory_space<hbm>>) dst(%dma_wait3A_225 : memref<128x128xf32, #tpu.memory_space<vmem>>)
      %add3A_229 = arith.constant 1 : i32
      %add3A_230 = arith.addi %mul3A_211, %add3A_229 : i32
      %dma_wait3A_231 = arith.constant 1 : i32
      %dma_wait3A_232 = arith.constant 0 : i32
      %dma_wait3A_233 = arith.constant 0 : i32
      %dma_wait3A_234 = tpu.memref_slice %arg11[%dma_wait3A_231, %dma_wait3A_232, %dma_wait3A_233] : memref<3x128x128xf32, #tpu.memory_space<vmem>> -> memref<1x128x128xf32, #tpu.memory_space<vmem>>
      %dma_wait3A_235 = tpu.memref_squeeze %dma_wait3A_234 : memref<1x128x128xf32, #tpu.memory_space<vmem>> -> memref<128x128xf32, #tpu.memory_space<vmem>>
      %dma_wait3A_236 = arith.constant 0 : i32
      %dma_wait3A_237 = arith.constant 0 : i32
      %dma_wait3A_238 = tpu.memref_slice %arg5[%dma_wait3A_236, %dma_wait3A_237] : memref<10240x128xf32, #tpu.memory_space<hbm>> -> memref<128x128xf32, #tpu.memory_space<hbm>>
      %dma_wait3A_239 = arith.constant 0 : i32
      %dma_wait3A_240 = arith.constant 0 : i32
      %dma_wait3A_241 = tpu.memref_slice %arg11[%dma_wait3A_231, %dma_wait3A_239, %dma_wait3A_240] : memref<3x128x128xf32, #tpu.memory_space<vmem>> -> memref<1x128x128xf32, #tpu.memory_space<vmem>>
      %dma_wait3A_242 = tpu.memref_squeeze %dma_wait3A_241 : memref<1x128x128xf32, #tpu.memory_space<vmem>> -> memref<128x128xf32, #tpu.memory_space<vmem>>
      %dma_wait3A_243 = arith.constant 0 : i32
      %dma_wait3A_244 = arith.constant 0 : i32
      %dma_wait3A_245 = tpu.memref_slice %arg5[%dma_wait3A_243, %dma_wait3A_244] : memref<10240x128xf32, #tpu.memory_space<hbm>> -> memref<128x128xf32, #tpu.memory_space<hbm>>
      tpu.wait_dma2 semaphore(%arg14 : memref<!tpu.dma_semaphore, #tpu.memory_space<semaphore_mem>>) src(%dma_wait3A_245 : memref<128x128xf32, #tpu.memory_space<hbm>>) dst(%dma_wait3A_242 : memref<128x128xf32, #tpu.memory_space<vmem>>)
      %add3A_246 = arith.constant 2 : i32
      %add3A_247 = arith.addi %mul3A_211, %add3A_246 : i32
      %dma_wait3A_248 = arith.constant 2 : i32
      %dma_wait3A_249 = arith.constant 0 : i32
      %dma_wait3A_250 = arith.constant 0 : i32
      %dma_wait3A_251 = tpu.memref_slice %arg11[%dma_wait3A_248, %dma_wait3A_249, %dma_wait3A_250] : memref<3x128x128xf32, #tpu.memory_space<vmem>> -> memref<1x128x128xf32, #tpu.memory_space<vmem>>
      %dma_wait3A_252 = tpu.memref_squeeze %dma_wait3A_251 : memref<1x128x128xf32, #tpu.memory_space<vmem>> -> memref<128x128xf32, #tpu.memory_space<vmem>>
      %dma_wait3A_253 = arith.constant 0 : i32
      %dma_wait3A_254 = arith.constant 0 : i32
      %dma_wait3A_255 = tpu.memref_slice %arg5[%dma_wait3A_253, %dma_wait3A_254] : memref<10240x128xf32, #tpu.memory_space<hbm>> -> memref<128x128xf32, #tpu.memory_space<hbm>>
      %dma_wait3A_256 = arith.constant 0 : i32
      %dma_wait3A_257 = arith.constant 0 : i32
      %dma_wait3A_258 = tpu.memref_slice %arg11[%dma_wait3A_248, %dma_wait3A_256, %dma_wait3A_257] : memref<3x128x128xf32, #tpu.memory_space<vmem>> -> memref<1x128x128xf32, #tpu.memory_space<vmem>>
      %dma_wait3A_259 = tpu.memref_squeeze %dma_wait3A_258 : memref<1x128x128xf32, #tpu.memory_space<vmem>> -> memref<128x128xf32, #tpu.memory_space<vmem>>
      %dma_wait3A_260 = arith.constant 0 : i32
      %dma_wait3A_261 = arith.constant 0 : i32
      %dma_wait3A_262 = tpu.memref_slice %arg5[%dma_wait3A_260, %dma_wait3A_261] : memref<10240x128xf32, #tpu.memory_space<hbm>> -> memref<128x128xf32, #tpu.memory_space<hbm>>
      tpu.wait_dma2 semaphore(%arg15 : memref<!tpu.dma_semaphore, #tpu.memory_space<semaphore_mem>>) src(%dma_wait3A_262 : memref<128x128xf32, #tpu.memory_space<hbm>>) dst(%dma_wait3A_259 : memref<128x128xf32, #tpu.memory_space<vmem>>)
      %add3A_263 = arith.constant 3 : i32
      %add3A_264 = arith.addi %mul3A_211, %add3A_263 : i32
      %add3A_265 = arith.constant 0 : i32
      %add3A_266 = arith.addi %add3A_264, %add3A_265 : i32
      %dma_start3A_267 = arith.constant 0 : i32
      %dma_start3A_268 = arith.constant 0 : i32
      %dma_start3A_269 = arith.constant 0 : i32
      %dma_start3A_270 = tpu.memref_slice %arg11[%dma_start3A_267, %dma_start3A_268, %dma_start3A_269] : memref<3x128x128xf32, #tpu.memory_space<vmem>> -> memref<1x128x128xf32, #tpu.memory_space<vmem>>
      %dma_start3A_271 = tpu.memref_squeeze %dma_start3A_270 : memref<1x128x128xf32, #tpu.memory_space<vmem>> -> memref<128x128xf32, #tpu.memory_space<vmem>>
      %dma_start3A_272 = arith.constant 0 : i32
      %dma_start3A_273 = tpu.memref_slice %arg8[%add3A_266, %dma_start3A_272] : memref<159x128xi32, #tpu.memory_space<vmem>> -> memref<1x128xi32, #tpu.memory_space<vmem>>
      %dma_start3A_274 = tpu.memref_squeeze %dma_start3A_273 : memref<1x128xi32, #tpu.memory_space<vmem>> -> memref<128xi32, #tpu.memory_space<vmem>>
      %dma_start3A_275 = arith.constant 0 : i32
      %dma_start3A_276 = arith.constant 0 : i32
      %dma_start3A_277 = tpu.memref_slice %arg5[%dma_start3A_275, %dma_start3A_276] : memref<10240x128xf32, #tpu.memory_space<hbm>> -> memref<10240x128xf32, #tpu.memory_space<hbm>>
      tpu.enqueue_indirect_dma source(%dma_start3A_277 : memref<10240x128xf32, #tpu.memory_space<hbm>>) target(%dma_start3A_271 : memref<128x128xf32, #tpu.memory_space<vmem>>) offsets(%dma_start3A_274 : memref<128xi32, #tpu.memory_space<vmem>>) semaphore(%arg13 : memref<!tpu.dma_semaphore, #tpu.memory_space<semaphore_mem>>)
      %add3A_278 = arith.constant 3 : i32
      %add3A_279 = arith.addi %mul3A_211, %add3A_278 : i32
      %add3A_280 = arith.constant 1 : i32
      %add3A_281 = arith.addi %add3A_279, %add3A_280 : i32
      %dma_start3A_282 = arith.constant 1 : i32
      %dma_start3A_283 = arith.constant 0 : i32
      %dma_start3A_284 = arith.constant 0 : i32
      %dma_start3A_285 = tpu.memref_slice %arg11[%dma_start3A_282, %dma_start3A_283, %dma_start3A_284] : memref<3x128x128xf32, #tpu.memory_space<vmem>> -> memref<1x128x128xf32, #tpu.memory_space<vmem>>
      %dma_start3A_286 = tpu.memref_squeeze %dma_start3A_285 : memref<1x128x128xf32, #tpu.memory_space<vmem>> -> memref<128x128xf32, #tpu.memory_space<vmem>>
      %dma_start3A_287 = arith.constant 0 : i32
      %dma_start3A_288 = tpu.memref_slice %arg8[%add3A_281, %dma_start3A_287] : memref<159x128xi32, #tpu.memory_space<vmem>> -> memref<1x128xi32, #tpu.memory_space<vmem>>
      %dma_start3A_289 = tpu.memref_squeeze %dma_start3A_288 : memref<1x128xi32, #tpu.memory_space<vmem>> -> memref<128xi32, #tpu.memory_space<vmem>>
      %dma_start3A_290 = arith.constant 0 : i32
      %dma_start3A_291 = arith.constant 0 : i32
      %dma_start3A_292 = tpu.memref_slice %arg5[%dma_start3A_290, %dma_start3A_291] : memref<10240x128xf32, #tpu.memory_space<hbm>> -> memref<10240x128xf32, #tpu.memory_space<hbm>>
      tpu.enqueue_indirect_dma source(%dma_start3A_292 : memref<10240x128xf32, #tpu.memory_space<hbm>>) target(%dma_start3A_286 : memref<128x128xf32, #tpu.memory_space<vmem>>) offsets(%dma_start3A_289 : memref<128xi32, #tpu.memory_space<vmem>>) semaphore(%arg14 : memref<!tpu.dma_semaphore, #tpu.memory_space<semaphore_mem>>)
      %add3A_293 = arith.constant 3 : i32
      %add3A_294 = arith.addi %mul3A_211, %add3A_293 : i32
      %add3A_295 = arith.constant 2 : i32
      %add3A_296 = arith.addi %add3A_294, %add3A_295 : i32
      %dma_start3A_297 = arith.constant 2 : i32
      %dma_start3A_298 = arith.constant 0 : i32
      %dma_start3A_299 = arith.constant 0 : i32
      %dma_start3A_300 = tpu.memref_slice %arg11[%dma_start3A_297, %dma_start3A_298, %dma_start3A_299] : memref<3x128x128xf32, #tpu.memory_space<vmem>> -> memref<1x128x128xf32, #tpu.memory_space<vmem>>
      %dma_start3A_301 = tpu.memref_squeeze %dma_start3A_300 : memref<1x128x128xf32, #tpu.memory_space<vmem>> -> memref<128x128xf32, #tpu.memory_space<vmem>>
      %dma_start3A_302 = arith.constant 0 : i32
      %dma_start3A_303 = tpu.memref_slice %arg8[%add3A_296, %dma_start3A_302] : memref<159x128xi32, #tpu.memory_space<vmem>> -> memref<1x128xi32, #tpu.memory_space<vmem>>
      %dma_start3A_304 = tpu.memref_squeeze %dma_start3A_303 : memref<1x128xi32, #tpu.memory_space<vmem>> -> memref<128xi32, #tpu.memory_space<vmem>>
      %dma_start3A_305 = arith.constant 0 : i32
      %dma_start3A_306 = arith.constant 0 : i32
      %dma_start3A_307 = tpu.memref_slice %arg5[%dma_start3A_305, %dma_start3A_306] : memref<10240x128xf32, #tpu.memory_space<hbm>> -> memref<10240x128xf32, #tpu.memory_space<hbm>>
      tpu.enqueue_indirect_dma source(%dma_start3A_307 : memref<10240x128xf32, #tpu.memory_space<hbm>>) target(%dma_start3A_301 : memref<128x128xf32, #tpu.memory_space<vmem>>) offsets(%dma_start3A_304 : memref<128xi32, #tpu.memory_space<vmem>>) semaphore(%arg15 : memref<!tpu.dma_semaphore, #tpu.memory_space<semaphore_mem>>)
    }
    %scan3A_40 = arith.constant 52 : i32
    %dma_wait3A = arith.constant 0 : i32
    %dma_wait3A_41 = arith.constant 0 : i32
    %dma_wait3A_42 = arith.constant 0 : i32
    %dma_wait3A_43 = tpu.memref_slice %arg11[%dma_wait3A, %dma_wait3A_41, %dma_wait3A_42] : memref<3x128x128xf32, #tpu.memory_space<vmem>> -> memref<1x128x128xf32, #tpu.memory_space<vmem>>
    %dma_wait3A_44 = tpu.memref_squeeze %dma_wait3A_43 : memref<1x128x128xf32, #tpu.memory_space<vmem>> -> memref<128x128xf32, #tpu.memory_space<vmem>>
    %dma_wait3A_45 = arith.constant 0 : i32
    %dma_wait3A_46 = arith.constant 0 : i32
    %dma_wait3A_47 = tpu.memref_slice %arg5[%dma_wait3A_45, %dma_wait3A_46] : memref<10240x128xf32, #tpu.memory_space<hbm>> -> memref<128x128xf32, #tpu.memory_space<hbm>>
    %dma_wait3A_48 = arith.constant 0 : i32
    %dma_wait3A_49 = arith.constant 0 : i32
    %dma_wait3A_50 = tpu.memref_slice %arg11[%dma_wait3A, %dma_wait3A_48, %dma_wait3A_49] : memref<3x128x128xf32, #tpu.memory_space<vmem>> -> memref<1x128x128xf32, #tpu.memory_space<vmem>>
    %dma_wait3A_51 = tpu.memref_squeeze %dma_wait3A_50 : memref<1x128x128xf32, #tpu.memory_space<vmem>> -> memref<128x128xf32, #tpu.memory_space<vmem>>
    %dma_wait3A_52 = arith.constant 0 : i32
    %dma_wait3A_53 = arith.constant 0 : i32
    %dma_wait3A_54 = tpu.memref_slice %arg5[%dma_wait3A_52, %dma_wait3A_53] : memref<10240x128xf32, #tpu.memory_space<hbm>> -> memref<128x128xf32, #tpu.memory_space<hbm>>
    tpu.wait_dma2 semaphore(%arg13 : memref<!tpu.dma_semaphore, #tpu.memory_space<semaphore_mem>>) src(%dma_wait3A_54 : memref<128x128xf32, #tpu.memory_space<hbm>>) dst(%dma_wait3A_51 : memref<128x128xf32, #tpu.memory_space<vmem>>)
    %dma_wait3A_55 = arith.constant 1 : i32
    %dma_wait3A_56 = arith.constant 0 : i32
    %dma_wait3A_57 = arith.constant 0 : i32
    %dma_wait3A_58 = tpu.memref_slice %arg11[%dma_wait3A_55, %dma_wait3A_56, %dma_wait3A_57] : memref<3x128x128xf32, #tpu.memory_space<vmem>> -> memref<1x128x128xf32, #tpu.memory_space<vmem>>
    %dma_wait3A_59 = tpu.memref_squeeze %dma_wait3A_58 : memref<1x128x128xf32, #tpu.memory_space<vmem>> -> memref<128x128xf32, #tpu.memory_space<vmem>>
    %dma_wait3A_60 = arith.constant 0 : i32
    %dma_wait3A_61 = arith.constant 0 : i32
    %dma_wait3A_62 = tpu.memref_slice %arg5[%dma_wait3A_60, %dma_wait3A_61] : memref<10240x128xf32, #tpu.memory_space<hbm>> -> memref<128x128xf32, #tpu.memory_space<hbm>>
    %dma_wait3A_63 = arith.constant 0 : i32
    %dma_wait3A_64 = arith.constant 0 : i32
    %dma_wait3A_65 = tpu.memref_slice %arg11[%dma_wait3A_55, %dma_wait3A_63, %dma_wait3A_64] : memref<3x128x128xf32, #tpu.memory_space<vmem>> -> memref<1x128x128xf32, #tpu.memory_space<vmem>>
    %dma_wait3A_66 = tpu.memref_squeeze %dma_wait3A_65 : memref<1x128x128xf32, #tpu.memory_space<vmem>> -> memref<128x128xf32, #tpu.memory_space<vmem>>
    %dma_wait3A_67 = arith.constant 0 : i32
    %dma_wait3A_68 = arith.constant 0 : i32
    %dma_wait3A_69 = tpu.memref_slice %arg5[%dma_wait3A_67, %dma_wait3A_68] : memref<10240x128xf32, #tpu.memory_space<hbm>> -> memref<128x128xf32, #tpu.memory_space<hbm>>
    tpu.wait_dma2 semaphore(%arg14 : memref<!tpu.dma_semaphore, #tpu.memory_space<semaphore_mem>>) src(%dma_wait3A_69 : memref<128x128xf32, #tpu.memory_space<hbm>>) dst(%dma_wait3A_66 : memref<128x128xf32, #tpu.memory_space<vmem>>)
    %dma_wait3A_70 = arith.constant 2 : i32
    %dma_wait3A_71 = arith.constant 0 : i32
    %dma_wait3A_72 = arith.constant 0 : i32
    %dma_wait3A_73 = tpu.memref_slice %arg11[%dma_wait3A_70, %dma_wait3A_71, %dma_wait3A_72] : memref<3x128x128xf32, #tpu.memory_space<vmem>> -> memref<1x128x128xf32, #tpu.memory_space<vmem>>
    %dma_wait3A_74 = tpu.memref_squeeze %dma_wait3A_73 : memref<1x128x128xf32, #tpu.memory_space<vmem>> -> memref<128x128xf32, #tpu.memory_space<vmem>>
    %dma_wait3A_75 = arith.constant 0 : i32
    %dma_wait3A_76 = arith.constant 0 : i32
    %dma_wait3A_77 = tpu.memref_slice %arg5[%dma_wait3A_75, %dma_wait3A_76] : memref<10240x128xf32, #tpu.memory_space<hbm>> -> memref<128x128xf32, #tpu.memory_space<hbm>>
    %dma_wait3A_78 = arith.constant 0 : i32
    %dma_wait3A_79 = arith.constant 0 : i32
    %dma_wait3A_80 = tpu.memref_slice %arg11[%dma_wait3A_70, %dma_wait3A_78, %dma_wait3A_79] : memref<3x128x128xf32, #tpu.memory_space<vmem>> -> memref<1x128x128xf32, #tpu.memory_space<vmem>>
    %dma_wait3A_81 = tpu.memref_squeeze %dma_wait3A_80 : memref<1x128x128xf32, #tpu.memory_space<vmem>> -> memref<128x128xf32, #tpu.memory_space<vmem>>
    %dma_wait3A_82 = arith.constant 0 : i32
    %dma_wait3A_83 = arith.constant 0 : i32
    %dma_wait3A_84 = tpu.memref_slice %arg5[%dma_wait3A_82, %dma_wait3A_83] : memref<10240x128xf32, #tpu.memory_space<hbm>> -> memref<128x128xf32, #tpu.memory_space<hbm>>
    tpu.wait_dma2 semaphore(%arg15 : memref<!tpu.dma_semaphore, #tpu.memory_space<semaphore_mem>>) src(%dma_wait3A_84 : memref<128x128xf32, #tpu.memory_space<hbm>>) dst(%dma_wait3A_81 : memref<128x128xf32, #tpu.memory_space<vmem>>)
    %barrier3A_85 = arith.constant 0 : index
    tpu.barrier barrier_id(%barrier3A_85)
    %add3A = arith.constant 0 : i32
    %add3A_86 = arith.addi %mul3A_0, %add3A : i32
    %add3A_87 = arith.constant 128 : i32
    %add3A_88 = arith.addi %mul3A_0, %add3A_87 : i32
    %add3A_89 = arith.constant 256 : i32
    %add3A_90 = arith.addi %mul3A_0, %add3A_89 : i32
    %add3A_91 = arith.constant 384 : i32
    %add3A_92 = arith.addi %mul3A_0, %add3A_91 : i32
    %add3A_93 = arith.constant 512 : i32
    %add3A_94 = arith.addi %mul3A_0, %add3A_93 : i32
    %barrier3A_95 = arith.constant 0 : index
    tpu.barrier barrier_id(%barrier3A_95)
    %dma_start3A_96 = arith.constant 0 : i32
    %dma_start3A_97 = arith.constant 0 : i32
    %dma_start3A_98 = arith.constant 0 : i32
    %dma_start3A_99 = arith.constant 0 : i32
    %dma_start3A_100 = tpu.memref_slice %arg11[%dma_start3A_97, %dma_start3A_98, %dma_start3A_99] : memref<3x128x128xf32, #tpu.memory_space<vmem>> -> memref<1x128x128xf32, #tpu.memory_space<vmem>>
    %dma_start3A_101 = tpu.memref_squeeze %dma_start3A_100 : memref<1x128x128xf32, #tpu.memory_space<vmem>> -> memref<128x128xf32, #tpu.memory_space<vmem>>
    %dma_start3A_102 = arith.constant 0 : i32
    %dma_start3A_103 = tpu.memref_slice %arg8[%dma_start3A_96, %dma_start3A_102] : memref<159x128xi32, #tpu.memory_space<vmem>> -> memref<1x128xi32, #tpu.memory_space<vmem>>
    %dma_start3A_104 = tpu.memref_squeeze %dma_start3A_103 : memref<1x128xi32, #tpu.memory_space<vmem>> -> memref<128xi32, #tpu.memory_space<vmem>>
    %dma_start3A_105 = arith.constant 0 : i32
    %dma_start3A_106 = arith.constant 0 : i32
    %dma_start3A_107 = tpu.memref_slice %arg5[%dma_start3A_105, %dma_start3A_106] : memref<10240x128xf32, #tpu.memory_space<hbm>> -> memref<10240x128xf32, #tpu.memory_space<hbm>>
    tpu.enqueue_indirect_dma source(%dma_start3A_107 : memref<10240x128xf32, #tpu.memory_space<hbm>>) target(%dma_start3A_101 : memref<128x128xf32, #tpu.memory_space<vmem>>) offsets(%dma_start3A_104 : memref<128xi32, #tpu.memory_space<vmem>>) semaphore(%arg13 : memref<!tpu.dma_semaphore, #tpu.memory_space<semaphore_mem>>)
    %dma_start3A_108 = arith.constant 1 : i32
    %dma_start3A_109 = arith.constant 1 : i32
    %dma_start3A_110 = arith.constant 0 : i32
    %dma_start3A_111 = arith.constant 0 : i32
    %dma_start3A_112 = tpu.memref_slice %arg11[%dma_start3A_109, %dma_start3A_110, %dma_start3A_111] : memref<3x128x128xf32, #tpu.memory_space<vmem>> -> memref<1x128x128xf32, #tpu.memory_space<vmem>>
    %dma_start3A_113 = tpu.memref_squeeze %dma_start3A_112 : memref<1x128x128xf32, #tpu.memory_space<vmem>> -> memref<128x128xf32, #tpu.memory_space<vmem>>
    %dma_start3A_114 = arith.constant 0 : i32
    %dma_start3A_115 = tpu.memref_slice %arg8[%dma_start3A_108, %dma_start3A_114] : memref<159x128xi32, #tpu.memory_space<vmem>> -> memref<1x128xi32, #tpu.memory_space<vmem>>
    %dma_start3A_116 = tpu.memref_squeeze %dma_start3A_115 : memref<1x128xi32, #tpu.memory_space<vmem>> -> memref<128xi32, #tpu.memory_space<vmem>>
    %dma_start3A_117 = arith.constant 0 : i32
    %dma_start3A_118 = arith.constant 0 : i32
    %dma_start3A_119 = tpu.memref_slice %arg5[%dma_start3A_117, %dma_start3A_118] : memref<10240x128xf32, #tpu.memory_space<hbm>> -> memref<10240x128xf32, #tpu.memory_space<hbm>>
    tpu.enqueue_indirect_dma source(%dma_start3A_119 : memref<10240x128xf32, #tpu.memory_space<hbm>>) target(%dma_start3A_113 : memref<128x128xf32, #tpu.memory_space<vmem>>) offsets(%dma_start3A_116 : memref<128xi32, #tpu.memory_space<vmem>>) semaphore(%arg14 : memref<!tpu.dma_semaphore, #tpu.memory_space<semaphore_mem>>)
    %dma_start3A_120 = arith.constant 2 : i32
    %dma_start3A_121 = arith.constant 2 : i32
    %dma_start3A_122 = arith.constant 0 : i32
    %dma_start3A_123 = arith.constant 0 : i32
    %dma_start3A_124 = tpu.memref_slice %arg11[%dma_start3A_121, %dma_start3A_122, %dma_start3A_123] : memref<3x128x128xf32, #tpu.memory_space<vmem>> -> memref<1x128x128xf32, #tpu.memory_space<vmem>>
    %dma_start3A_125 = tpu.memref_squeeze %dma_start3A_124 : memref<1x128x128xf32, #tpu.memory_space<vmem>> -> memref<128x128xf32, #tpu.memory_space<vmem>>
    %dma_start3A_126 = arith.constant 0 : i32
    %dma_start3A_127 = tpu.memref_slice %arg8[%dma_start3A_120, %dma_start3A_126] : memref<159x128xi32, #tpu.memory_space<vmem>> -> memref<1x128xi32, #tpu.memory_space<vmem>>
    %dma_start3A_128 = tpu.memref_squeeze %dma_start3A_127 : memref<1x128xi32, #tpu.memory_space<vmem>> -> memref<128xi32, #tpu.memory_space<vmem>>
    %dma_start3A_129 = arith.constant 0 : i32
    %dma_start3A_130 = arith.constant 0 : i32
    %dma_start3A_131 = tpu.memref_slice %arg5[%dma_start3A_129, %dma_start3A_130] : memref<10240x128xf32, #tpu.memory_space<hbm>> -> memref<10240x128xf32, #tpu.memory_space<hbm>>
    tpu.enqueue_indirect_dma source(%dma_start3A_131 : memref<10240x128xf32, #tpu.memory_space<hbm>>) target(%dma_start3A_125 : memref<128x128xf32, #tpu.memory_space<vmem>>) offsets(%dma_start3A_128 : memref<128xi32, #tpu.memory_space<vmem>>) semaphore(%arg15 : memref<!tpu.dma_semaphore, #tpu.memory_space<semaphore_mem>>)
    %scan3A_132 = arith.constant 0 : i32
    %scan3A_133 = arith.constant 0 : i32
    %scan3A_134 = arith.constant 52 : i32
    %scan3A_135 = arith.addi %scan3A_133, %scan3A_134 : i32
    %scan3A_136 = arith.constant 1 : i32
    scf.for %scan3A_209 = %scan3A_133 to %scan3A_135 step %scan3A_136  : i32 {
      %mul3A_210 = arith.constant 3 : i32
      %mul3A_211 = arith.muli %scan3A_209, %mul3A_210 : i32
      %add3A_212 = arith.constant 0 : i32
      %add3A_213 = arith.addi %mul3A_211, %add3A_212 : i32
      %dma_wait3A_214 = arith.constant 0 : i32
      %dma_wait3A_215 = arith.constant 0 : i32
      %dma_wait3A_216 = arith.constant 0 : i32
      %dma_wait3A_217 = tpu.memref_slice %arg11[%dma_wait3A_214, %dma_wait3A_215, %dma_wait3A_216] : memref<3x128x128xf32, #tpu.memory_space<vmem>> -> memref<1x128x128xf32, #tpu.memory_space<vmem>>
      %dma_wait3A_218 = tpu.memref_squeeze %dma_wait3A_217 : memref<1x128x128xf32, #tpu.memory_space<vmem>> -> memref<128x128xf32, #tpu.memory_space<vmem>>
      %dma_wait3A_219 = arith.constant 0 : i32
      %dma_wait3A_220 = arith.constant 0 : i32
      %dma_wait3A_221 = tpu.memref_slice %arg5[%dma_wait3A_219, %dma_wait3A_220] : memref<10240x128xf32, #tpu.memory_space<hbm>> -> memref<128x128xf32, #tpu.memory_space<hbm>>
      %dma_wait3A_222 = arith.constant 0 : i32
      %dma_wait3A_223 = arith.constant 0 : i32
      %dma_wait3A_224 = tpu.memref_slice %arg11[%dma_wait3A_214, %dma_wait3A_222, %dma_wait3A_223] : memref<3x128x128xf32, #tpu.memory_space<vmem>> -> memref<1x128x128xf32, #tpu.memory_space<vmem>>
      %dma_wait3A_225 = tpu.memref_squeeze %dma_wait3A_224 : memref<1x128x128xf32, #tpu.memory_space<vmem>> -> memref<128x128xf32, #tpu.memory_space<vmem>>
      %dma_wait3A_226 = arith.constant 0 : i32
      %dma_wait3A_227 = arith.constant 0 : i32
      %dma_wait3A_228 = tpu.memref_slice %arg5[%dma_wait3A_226, %dma_wait3A_227] : memref<10240x128xf32, #tpu.memory_space<hbm>> -> memref<128x128xf32, #tpu.memory_space<hbm>>
      tpu.wait_dma2 semaphore(%arg13 : memref<!tpu.dma_semaphore, #tpu.memory_space<semaphore_mem>>) src(%dma_wait3A_228 : memref<128x128xf32, #tpu.memory_space<hbm>>) dst(%dma_wait3A_225 : memref<128x128xf32, #tpu.memory_space<vmem>>)
      %add3A_229 = arith.constant 1 : i32
      %add3A_230 = arith.addi %mul3A_211, %add3A_229 : i32
      %dma_wait3A_231 = arith.constant 1 : i32
      %dma_wait3A_232 = arith.constant 0 : i32
      %dma_wait3A_233 = arith.constant 0 : i32
      %dma_wait3A_234 = tpu.memref_slice %arg11[%dma_wait3A_231, %dma_wait3A_232, %dma_wait3A_233] : memref<3x128x128xf32, #tpu.memory_space<vmem>> -> memref<1x128x128xf32, #tpu.memory_space<vmem>>
      %dma_wait3A_235 = tpu.memref_squeeze %dma_wait3A_234 : memref<1x128x128xf32, #tpu.memory_space<vmem>> -> memref<128x128xf32, #tpu.memory_space<vmem>>
      %dma_wait3A_236 = arith.constant 0 : i32
      %dma_wait3A_237 = arith.constant 0 : i32
      %dma_wait3A_238 = tpu.memref_slice %arg5[%dma_wait3A_236, %dma_wait3A_237] : memref<10240x128xf32, #tpu.memory_space<hbm>> -> memref<128x128xf32, #tpu.memory_space<hbm>>
      %dma_wait3A_239 = arith.constant 0 : i32
      %dma_wait3A_240 = arith.constant 0 : i32
      %dma_wait3A_241 = tpu.memref_slice %arg11[%dma_wait3A_231, %dma_wait3A_239, %dma_wait3A_240] : memref<3x128x128xf32, #tpu.memory_space<vmem>> -> memref<1x128x128xf32, #tpu.memory_space<vmem>>
      %dma_wait3A_242 = tpu.memref_squeeze %dma_wait3A_241 : memref<1x128x128xf32, #tpu.memory_space<vmem>> -> memref<128x128xf32, #tpu.memory_space<vmem>>
      %dma_wait3A_243 = arith.constant 0 : i32
      %dma_wait3A_244 = arith.constant 0 : i32
      %dma_wait3A_245 = tpu.memref_slice %arg5[%dma_wait3A_243, %dma_wait3A_244] : memref<10240x128xf32, #tpu.memory_space<hbm>> -> memref<128x128xf32, #tpu.memory_space<hbm>>
      tpu.wait_dma2 semaphore(%arg14 : memref<!tpu.dma_semaphore, #tpu.memory_space<semaphore_mem>>) src(%dma_wait3A_245 : memref<128x128xf32, #tpu.memory_space<hbm>>) dst(%dma_wait3A_242 : memref<128x128xf32, #tpu.memory_space<vmem>>)
      %add3A_246 = arith.constant 2 : i32
      %add3A_247 = arith.addi %mul3A_211, %add3A_246 : i32
      %dma_wait3A_248 = arith.constant 2 : i32
      %dma_wait3A_249 = arith.constant 0 : i32
      %dma_wait3A_250 = arith.constant 0 : i32
      %dma_wait3A_251 = tpu.memref_slice %arg11[%dma_wait3A_248, %dma_wait3A_249, %dma_wait3A_250] : memref<3x128x128xf32, #tpu.memory_space<vmem>> -> memref<1x128x128xf32, #tpu.memory_space<vmem>>
      %dma_wait3A_252 = tpu.memref_squeeze %dma_wait3A_251 : memref<1x128x128xf32, #tpu.memory_space<vmem>> -> memref<128x128xf32, #tpu.memory_space<vmem>>
      %dma_wait3A_253 = arith.constant 0 : i32
      %dma_wait3A_254 = arith.constant 0 : i32
      %dma_wait3A_255 = tpu.memref_slice %arg5[%dma_wait3A_253, %dma_wait3A_254] : memref<10240x128xf32, #tpu.memory_space<hbm>> -> memref<128x128xf32, #tpu.memory_space<hbm>>
      %dma_wait3A_256 = arith.constant 0 : i32
      %dma_wait3A_257 = arith.constant 0 : i32
      %dma_wait3A_258 = tpu.memref_slice %arg11[%dma_wait3A_248, %dma_wait3A_256, %dma_wait3A_257] : memref<3x128x128xf32, #tpu.memory_space<vmem>> -> memref<1x128x128xf32, #tpu.memory_space<vmem>>
      %dma_wait3A_259 = tpu.memref_squeeze %dma_wait3A_258 : memref<1x128x128xf32, #tpu.memory_space<vmem>> -> memref<128x128xf32, #tpu.memory_space<vmem>>
      %dma_wait3A_260 = arith.constant 0 : i32
      %dma_wait3A_261 = arith.constant 0 : i32
      %dma_wait3A_262 = tpu.memref_slice %arg5[%dma_wait3A_260, %dma_wait3A_261] : memref<10240x128xf32, #tpu.memory_space<hbm>> -> memref<128x128xf32, #tpu.memory_space<hbm>>
      tpu.wait_dma2 semaphore(%arg15 : memref<!tpu.dma_semaphore, #tpu.memory_space<semaphore_mem>>) src(%dma_wait3A_262 : memref<128x128xf32, #tpu.memory_space<hbm>>) dst(%dma_wait3A_259 : memref<128x128xf32, #tpu.memory_space<vmem>>)
      %add3A_263 = arith.constant 3 : i32
      %add3A_264 = arith.addi %mul3A_211, %add3A_263 : i32
      %add3A_265 = arith.constant 0 : i32
      %add3A_266 = arith.addi %add3A_264, %add3A_265 : i32
      %dma_start3A_267 = arith.constant 0 : i32
      %dma_start3A_268 = arith.constant 0 : i32
      %dma_start3A_269 = arith.constant 0 : i32
      %dma_start3A_270 = tpu.memref_slice %arg11[%dma_start3A_267, %dma_start3A_268, %dma_start3A_269] : memref<3x128x128xf32, #tpu.memory_space<vmem>> -> memref<1x128x128xf32, #tpu.memory_space<vmem>>
      %dma_start3A_271 = tpu.memref_squeeze %dma_start3A_270 : memref<1x128x128xf32, #tpu.memory_space<vmem>> -> memref<128x128xf32, #tpu.memory_space<vmem>>
      %dma_start3A_272 = arith.constant 0 : i32
      %dma_start3A_273 = tpu.memref_slice %arg8[%add3A_266, %dma_start3A_272] : memref<159x128xi32, #tpu.memory_space<vmem>> -> memref<1x128xi32, #tpu.memory_space<vmem>>
      %dma_start3A_274 = tpu.memref_squeeze %dma_start3A_273 : memref<1x128xi32, #tpu.memory_space<vmem>> -> memref<128xi32, #tpu.memory_space<vmem>>
      %dma_start3A_275 = arith.constant 0 : i32
      %dma_start3A_276 = arith.constant 0 : i32
      %dma_start3A_277 = tpu.memref_slice %arg5[%dma_start3A_275, %dma_start3A_276] : memref<10240x128xf32, #tpu.memory_space<hbm>> -> memref<10240x128xf32, #tpu.memory_space<hbm>>
      tpu.enqueue_indirect_dma source(%dma_start3A_277 : memref<10240x128xf32, #tpu.memory_space<hbm>>) target(%dma_start3A_271 : memref<128x128xf32, #tpu.memory_space<vmem>>) offsets(%dma_start3A_274 : memref<128xi32, #tpu.memory_space<vmem>>) semaphore(%arg13 : memref<!tpu.dma_semaphore, #tpu.memory_space<semaphore_mem>>)
      %add3A_278 = arith.constant 3 : i32
      %add3A_279 = arith.addi %mul3A_211, %add3A_278 : i32
      %add3A_280 = arith.constant 1 : i32
      %add3A_281 = arith.addi %add3A_279, %add3A_280 : i32
      %dma_start3A_282 = arith.constant 1 : i32
      %dma_start3A_283 = arith.constant 0 : i32
      %dma_start3A_284 = arith.constant 0 : i32
      %dma_start3A_285 = tpu.memref_slice %arg11[%dma_start3A_282, %dma_start3A_283, %dma_start3A_284] : memref<3x128x128xf32, #tpu.memory_space<vmem>> -> memref<1x128x128xf32, #tpu.memory_space<vmem>>
      %dma_start3A_286 = tpu.memref_squeeze %dma_start3A_285 : memref<1x128x128xf32, #tpu.memory_space<vmem>> -> memref<128x128xf32, #tpu.memory_space<vmem>>
      %dma_start3A_287 = arith.constant 0 : i32
      %dma_start3A_288 = tpu.memref_slice %arg8[%add3A_281, %dma_start3A_287] : memref<159x128xi32, #tpu.memory_space<vmem>> -> memref<1x128xi32, #tpu.memory_space<vmem>>
      %dma_start3A_289 = tpu.memref_squeeze %dma_start3A_288 : memref<1x128xi32, #tpu.memory_space<vmem>> -> memref<128xi32, #tpu.memory_space<vmem>>
      %dma_start3A_290 = arith.constant 0 : i32
      %dma_start3A_291 = arith.constant 0 : i32
      %dma_start3A_292 = tpu.memref_slice %arg5[%dma_start3A_290, %dma_start3A_291] : memref<10240x128xf32, #tpu.memory_space<hbm>> -> memref<10240x128xf32, #tpu.memory_space<hbm>>
      tpu.enqueue_indirect_dma source(%dma_start3A_292 : memref<10240x128xf32, #tpu.memory_space<hbm>>) target(%dma_start3A_286 : memref<128x128xf32, #tpu.memory_space<vmem>>) offsets(%dma_start3A_289 : memref<128xi32, #tpu.memory_space<vmem>>) semaphore(%arg14 : memref<!tpu.dma_semaphore, #tpu.memory_space<semaphore_mem>>)
      %add3A_293 = arith.constant 3 : i32
      %add3A_294 = arith.addi %mul3A_211, %add3A_293 : i32
      %add3A_295 = arith.constant 2 : i32
      %add3A_296 = arith.addi %add3A_294, %add3A_295 : i32
      %dma_start3A_297 = arith.constant 2 : i32
      %dma_start3A_298 = arith.constant 0 : i32
      %dma_start3A_299 = arith.constant 0 : i32
      %dma_start3A_300 = tpu.memref_slice %arg11[%dma_start3A_297, %dma_start3A_298, %dma_start3A_299] : memref<3x128x128xf32, #tpu.memory_space<vmem>> -> memref<1x128x128xf32, #tpu.memory_space<vmem>>
      %dma_start3A_301 = tpu.memref_squeeze %dma_start3A_300 : memref<1x128x128xf32, #tpu.memory_space<vmem>> -> memref<128x128xf32, #tpu.memory_space<vmem>>
      %dma_start3A_302 = arith.constant 0 : i32
      %dma_start3A_303 = tpu.memref_slice %arg8[%add3A_296, %dma_start3A_302] : memref<159x128xi32, #tpu.memory_space<vmem>> -> memref<1x128xi32, #tpu.memory_space<vmem>>
      %dma_start3A_304 = tpu.memref_squeeze %dma_start3A_303 : memref<1x128xi32, #tpu.memory_space<vmem>> -> memref<128xi32, #tpu.memory_space<vmem>>
      %dma_start3A_305 = arith.constant 0 : i32
      %dma_start3A_306 = arith.constant 0 : i32
      %dma_start3A_307 = tpu.memref_slice %arg5[%dma_start3A_305, %dma_start3A_306] : memref<10240x128xf32, #tpu.memory_space<hbm>> -> memref<10240x128xf32, #tpu.memory_space<hbm>>
      tpu.enqueue_indirect_dma source(%dma_start3A_307 : memref<10240x128xf32, #tpu.memory_space<hbm>>) target(%dma_start3A_301 : memref<128x128xf32, #tpu.memory_space<vmem>>) offsets(%dma_start3A_304 : memref<128xi32, #tpu.memory_space<vmem>>) semaphore(%arg15 : memref<!tpu.dma_semaphore, #tpu.memory_space<semaphore_mem>>)
    }
    %scan3A_137 = arith.constant 52 : i32
    %dma_wait3A_138 = arith.constant 0 : i32
    %dma_wait3A_139 = arith.constant 0 : i32
    %dma_wait3A_140 = arith.constant 0 : i32
    %dma_wait3A_141 = tpu.memref_slice %arg11[%dma_wait3A_138, %dma_wait3A_139, %dma_wait3A_140] : memref<3x128x128xf32, #tpu.memory_space<vmem>> -> memref<1x128x128xf32, #tpu.memory_space<vmem>>
    %dma_wait3A_142 = tpu.memref_squeeze %dma_wait3A_141 : memref<1x128x128xf32, #tpu.memory_space<vmem>> -> memref<128x128xf32, #tpu.memory_space<vmem>>
    %dma_wait3A_143 = arith.constant 0 : i32
    %dma_wait3A_144 = arith.constant 0 : i32
    %dma_wait3A_145 = tpu.memref_slice %arg5[%dma_wait3A_143, %dma_wait3A_144] : memref<10240x128xf32, #tpu.memory_space<hbm>> -> memref<128x128xf32, #tpu.memory_space<hbm>>
    %dma_wait3A_146 = arith.constant 0 : i32
    %dma_wait3A_147 = arith.constant 0 : i32
    %dma_wait3A_148 = tpu.memref_slice %arg11[%dma_wait3A_138, %dma_wait3A_146, %dma_wait3A_147] : memref<3x128x128xf32, #tpu.memory_space<vmem>> -> memref<1x128x128xf32, #tpu.memory_space<vmem>>
    %dma_wait3A_149 = tpu.memref_squeeze %dma_wait3A_148 : memref<1x128x128xf32, #tpu.memory_space<vmem>> -> memref<128x128xf32, #tpu.memory_space<vmem>>
    %dma_wait3A_150 = arith.constant 0 : i32
    %dma_wait3A_151 = arith.constant 0 : i32
    %dma_wait3A_152 = tpu.memref_slice %arg5[%dma_wait3A_150, %dma_wait3A_151] : memref<10240x128xf32, #tpu.memory_space<hbm>> -> memref<128x128xf32, #tpu.memory_space<hbm>>
    tpu.wait_dma2 semaphore(%arg13 : memref<!tpu.dma_semaphore, #tpu.memory_space<semaphore_mem>>) src(%dma_wait3A_152 : memref<128x128xf32, #tpu.memory_space<hbm>>) dst(%dma_wait3A_149 : memref<128x128xf32, #tpu.memory_space<vmem>>)
    %dma_wait3A_153 = arith.constant 1 : i32
    %dma_wait3A_154 = arith.constant 0 : i32
    %dma_wait3A_155 = arith.constant 0 : i32
    %dma_wait3A_156 = tpu.memref_slice %arg11[%dma_wait3A_153, %dma_wait3A_154, %dma_wait3A_155] : memref<3x128x128xf32, #tpu.memory_space<vmem>> -> memref<1x128x128xf32, #tpu.memory_space<vmem>>
    %dma_wait3A_157 = tpu.memref_squeeze %dma_wait3A_156 : memref<1x128x128xf32, #tpu.memory_space<vmem>> -> memref<128x128xf32, #tpu.memory_space<vmem>>
    %dma_wait3A_158 = arith.constant 0 : i32
    %dma_wait3A_159 = arith.constant 0 : i32
    %dma_wait3A_160 = tpu.memref_slice %arg5[%dma_wait3A_158, %dma_wait3A_159] : memref<10240x128xf32, #tpu.memory_space<hbm>> -> memref<128x128xf32, #tpu.memory_space<hbm>>
    %dma_wait3A_161 = arith.constant 0 : i32
    %dma_wait3A_162 = arith.constant 0 : i32
    %dma_wait3A_163 = tpu.memref_slice %arg11[%dma_wait3A_153, %dma_wait3A_161, %dma_wait3A_162] : memref<3x128x128xf32, #tpu.memory_space<vmem>> -> memref<1x128x128xf32, #tpu.memory_space<vmem>>
    %dma_wait3A_164 = tpu.memref_squeeze %dma_wait3A_163 : memref<1x128x128xf32, #tpu.memory_space<vmem>> -> memref<128x128xf32, #tpu.memory_space<vmem>>
    %dma_wait3A_165 = arith.constant 0 : i32
    %dma_wait3A_166 = arith.constant 0 : i32
    %dma_wait3A_167 = tpu.memref_slice %arg5[%dma_wait3A_165, %dma_wait3A_166] : memref<10240x128xf32, #tpu.memory_space<hbm>> -> memref<128x128xf32, #tpu.memory_space<hbm>>
    tpu.wait_dma2 semaphore(%arg14 : memref<!tpu.dma_semaphore, #tpu.memory_space<semaphore_mem>>) src(%dma_wait3A_167 : memref<128x128xf32, #tpu.memory_space<hbm>>) dst(%dma_wait3A_164 : memref<128x128xf32, #tpu.memory_space<vmem>>)
    %dma_wait3A_168 = arith.constant 2 : i32
    %dma_wait3A_169 = arith.constant 0 : i32
    %dma_wait3A_170 = arith.constant 0 : i32
    %dma_wait3A_171 = tpu.memref_slice %arg11[%dma_wait3A_168, %dma_wait3A_169, %dma_wait3A_170] : memref<3x128x128xf32, #tpu.memory_space<vmem>> -> memref<1x128x128xf32, #tpu.memory_space<vmem>>
    %dma_wait3A_172 = tpu.memref_squeeze %dma_wait3A_171 : memref<1x128x128xf32, #tpu.memory_space<vmem>> -> memref<128x128xf32, #tpu.memory_space<vmem>>
    %dma_wait3A_173 = arith.constant 0 : i32
    %dma_wait3A_174 = arith.constant 0 : i32
    %dma_wait3A_175 = tpu.memref_slice %arg5[%dma_wait3A_173, %dma_wait3A_174] : memref<10240x128xf32, #tpu.memory_space<hbm>> -> memref<128x128xf32, #tpu.memory_space<hbm>>
    %dma_wait3A_176 = arith.constant 0 : i32
    %dma_wait3A_177 = arith.constant 0 : i32
    %dma_wait3A_178 = tpu.memref_slice %arg11[%dma_wait3A_168, %dma_wait3A_176, %dma_wait3A_177] : memref<3x128x128xf32, #tpu.memory_space<vmem>> -> memref<1x128x128xf32, #tpu.memory_space<vmem>>
    %dma_wait3A_179 = tpu.memref_squeeze %dma_wait3A_178 : memref<1x128x128xf32, #tpu.memory_space<vmem>> -> memref<128x128xf32, #tpu.memory_space<vmem>>
    %dma_wait3A_180 = arith.constant 0 : i32
    %dma_wait3A_181 = arith.constant 0 : i32
    %dma_wait3A_182 = tpu.memref_slice %arg5[%dma_wait3A_180, %dma_wait3A_181] : memref<10240x128xf32, #tpu.memory_space<hbm>> -> memref<128x128xf32, #tpu.memory_space<hbm>>
    tpu.wait_dma2 semaphore(%arg15 : memref<!tpu.dma_semaphore, #tpu.memory_space<semaphore_mem>>) src(%dma_wait3A_182 : memref<128x128xf32, #tpu.memory_space<hbm>>) dst(%dma_wait3A_179 : memref<128x128xf32, #tpu.memory_space<vmem>>)
    %barrier3A_183 = arith.constant 0 : index
    tpu.barrier barrier_id(%barrier3A_183)
    %mul3A_184 = arith.constant 10240 : i32
    %mul3A_185 = arith.muli %arg0, %mul3A_184 : i32
    %add3A_186 = arith.addi %mul3A_185, %mul3A_0 : i32
    %add3A_187 = arith.constant 0 : i32
    %add3A_188 = arith.addi %add3A_186, %add3A_187 : i32
    "tpu.region"() ({
      %run_scoped3A = tpu.sem_alloc : memref<!tpu.dma_semaphore, #tpu.memory_space<semaphore_mem>>
      %dma_start3A_209 = arith.constant 0 : i32
      %dma_start3A_210 = tpu.memref_slice %arg7[%add3A_188, %dma_start3A_209] : memref<20480x64xf32, #tpu.memory_space<hbm>> -> memref<128x64xf32, #tpu.memory_space<hbm>>
      %dma_start3A_211 = arith.constant 0 : i32
      %dma_start3A_212 = arith.constant 0 : i32
      %dma_start3A_213 = tpu.memref_slice %arg12[%dma_start3A_211, %dma_start3A_212] : memref<5120x64xf32, #tpu.memory_space<vmem_shared>> -> memref<128x64xf32, #tpu.memory_space<vmem_shared>>
      tpu.enqueue_dma source(%dma_start3A_213 : memref<128x64xf32, #tpu.memory_space<vmem_shared>>) target(%dma_start3A_210 : memref<128x64xf32, #tpu.memory_space<hbm>>) target_semaphore(%run_scoped3A : memref<!tpu.dma_semaphore, #tpu.memory_space<semaphore_mem>>)
      %dma_wait3A_214 = arith.constant 0 : i32
      %dma_wait3A_215 = tpu.memref_slice %arg7[%add3A_188, %dma_wait3A_214] : memref<20480x64xf32, #tpu.memory_space<hbm>> -> memref<128x64xf32, #tpu.memory_space<hbm>>
      %dma_wait3A_216 = arith.constant 0 : i32
      %dma_wait3A_217 = arith.constant 0 : i32
      %dma_wait3A_218 = tpu.memref_slice %arg12[%dma_wait3A_216, %dma_wait3A_217] : memref<5120x64xf32, #tpu.memory_space<vmem_shared>> -> memref<128x64xf32, #tpu.memory_space<vmem_shared>>
      tpu.wait_dma2 semaphore(%run_scoped3A : memref<!tpu.dma_semaphore, #tpu.memory_space<semaphore_mem>>) src(%dma_wait3A_218 : memref<128x64xf32, #tpu.memory_space<vmem_shared>>) dst(%dma_wait3A_215 : memref<128x64xf32, #tpu.memory_space<hbm>>)
      tpu.yield
    }) : () -> ()
    %mul3A_189 = arith.constant 10240 : i32
    %mul3A_190 = arith.muli %arg0, %mul3A_189 : i32
    %add3A_191 = arith.addi %mul3A_190, %mul3A_0 : i32
    %add3A_192 = arith.constant 128 : i32
    %add3A_193 = arith.addi %add3A_191, %add3A_192 : i32
    "tpu.region"() ({
      %run_scoped3A = tpu.sem_alloc : memref<!tpu.dma_semaphore, #tpu.memory_space<semaphore_mem>>
      %dma_start3A_209 = arith.constant 0 : i32
      %dma_start3A_210 = tpu.memref_slice %arg7[%add3A_193, %dma_start3A_209] : memref<20480x64xf32, #tpu.memory_space<hbm>> -> memref<128x64xf32, #tpu.memory_space<hbm>>
      %dma_start3A_211 = arith.constant 128 : i32
      %dma_start3A_212 = arith.constant 0 : i32
      %dma_start3A_213 = tpu.memref_slice %arg12[%dma_start3A_211, %dma_start3A_212] : memref<5120x64xf32, #tpu.memory_space<vmem_shared>> -> memref<128x64xf32, #tpu.memory_space<vmem_shared>>
      tpu.enqueue_dma source(%dma_start3A_213 : memref<128x64xf32, #tpu.memory_space<vmem_shared>>) target(%dma_start3A_210 : memref<128x64xf32, #tpu.memory_space<hbm>>) target_semaphore(%run_scoped3A : memref<!tpu.dma_semaphore, #tpu.memory_space<semaphore_mem>>)
      %dma_wait3A_214 = arith.constant 0 : i32
      %dma_wait3A_215 = tpu.memref_slice %arg7[%add3A_193, %dma_wait3A_214] : memref<20480x64xf32, #tpu.memory_space<hbm>> -> memref<128x64xf32, #tpu.memory_space<hbm>>
      %dma_wait3A_216 = arith.constant 128 : i32
      %dma_wait3A_217 = arith.constant 0 : i32
      %dma_wait3A_218 = tpu.memref_slice %arg12[%dma_wait3A_216, %dma_wait3A_217] : memref<5120x64xf32, #tpu.memory_space<vmem_shared>> -> memref<128x64xf32, #tpu.memory_space<vmem_shared>>
      tpu.wait_dma2 semaphore(%run_scoped3A : memref<!tpu.dma_semaphore, #tpu.memory_space<semaphore_mem>>) src(%dma_wait3A_218 : memref<128x64xf32, #tpu.memory_space<vmem_shared>>) dst(%dma_wait3A_215 : memref<128x64xf32, #tpu.memory_space<hbm>>)
      tpu.yield
    }) : () -> ()
    %mul3A_194 = arith.constant 10240 : i32
    %mul3A_195 = arith.muli %arg0, %mul3A_194 : i32
    %add3A_196 = arith.addi %mul3A_195, %mul3A_0 : i32
    %add3A_197 = arith.constant 256 : i32
    %add3A_198 = arith.addi %add3A_196, %add3A_197 : i32
    "tpu.region"() ({
      %run_scoped3A = tpu.sem_alloc : memref<!tpu.dma_semaphore, #tpu.memory_space<semaphore_mem>>
      %dma_start3A_209 = arith.constant 0 : i32
      %dma_start3A_210 = tpu.memref_slice %arg7[%add3A_198, %dma_start3A_209] : memref<20480x64xf32, #tpu.memory_space<hbm>> -> memref<128x64xf32, #tpu.memory_space<hbm>>
      %dma_start3A_211 = arith.constant 256 : i32
      %dma_start3A_212 = arith.constant 0 : i32
      %dma_start3A_213 = tpu.memref_slice %arg12[%dma_start3A_211, %dma_start3A_212] : memref<5120x64xf32, #tpu.memory_space<vmem_shared>> -> memref<128x64xf32, #tpu.memory_space<vmem_shared>>
      tpu.enqueue_dma source(%dma_start3A_213 : memref<128x64xf32, #tpu.memory_space<vmem_shared>>) target(%dma_start3A_210 : memref<128x64xf32, #tpu.memory_space<hbm>>) target_semaphore(%run_scoped3A : memref<!tpu.dma_semaphore, #tpu.memory_space<semaphore_mem>>)
      %dma_wait3A_214 = arith.constant 0 : i32
      %dma_wait3A_215 = tpu.memref_slice %arg7[%add3A_198, %dma_wait3A_214] : memref<20480x64xf32, #tpu.memory_space<hbm>> -> memref<128x64xf32, #tpu.memory_space<hbm>>
      %dma_wait3A_216 = arith.constant 256 : i32
      %dma_wait3A_217 = arith.constant 0 : i32
      %dma_wait3A_218 = tpu.memref_slice %arg12[%dma_wait3A_216, %dma_wait3A_217] : memref<5120x64xf32, #tpu.memory_space<vmem_shared>> -> memref<128x64xf32, #tpu.memory_space<vmem_shared>>
      tpu.wait_dma2 semaphore(%run_scoped3A : memref<!tpu.dma_semaphore, #tpu.memory_space<semaphore_mem>>) src(%dma_wait3A_218 : memref<128x64xf32, #tpu.memory_space<vmem_shared>>) dst(%dma_wait3A_215 : memref<128x64xf32, #tpu.memory_space<hbm>>)
      tpu.yield
    }) : () -> ()
    %mul3A_199 = arith.constant 10240 : i32
    %mul3A_200 = arith.muli %arg0, %mul3A_199 : i32
    %add3A_201 = arith.addi %mul3A_200, %mul3A_0 : i32
    %add3A_202 = arith.constant 384 : i32
    %add3A_203 = arith.addi %add3A_201, %add3A_202 : i32
    "tpu.region"() ({
      %run_scoped3A = tpu.sem_alloc : memref<!tpu.dma_semaphore, #tpu.memory_space<semaphore_mem>>
      %dma_start3A_209 = arith.constant 0 : i32
      %dma_start3A_210 = tpu.memref_slice %arg7[%add3A_203, %dma_start3A_209] : memref<20480x64xf32, #tpu.memory_space<hbm>> -> memref<128x64xf32, #tpu.memory_space<hbm>>
      %dma_start3A_211 = arith.constant 384 : i32
      %dma_start3A_212 = arith.constant 0 : i32
      %dma_start3A_213 = tpu.memref_slice %arg12[%dma_start3A_211, %dma_start3A_212] : memref<5120x64xf32, #tpu.memory_space<vmem_shared>> -> memref<128x64xf32, #tpu.memory_space<vmem_shared>>
      tpu.enqueue_dma source(%dma_start3A_213 : memref<128x64xf32, #tpu.memory_space<vmem_shared>>) target(%dma_start3A_210 : memref<128x64xf32, #tpu.memory_space<hbm>>) target_semaphore(%run_scoped3A : memref<!tpu.dma_semaphore, #tpu.memory_space<semaphore_mem>>)
      %dma_wait3A_214 = arith.constant 0 : i32
      %dma_wait3A_215 = tpu.memref_slice %arg7[%add3A_203, %dma_wait3A_214] : memref<20480x64xf32, #tpu.memory_space<hbm>> -> memref<128x64xf32, #tpu.memory_space<hbm>>
      %dma_wait3A_216 = arith.constant 384 : i32
      %dma_wait3A_217 = arith.constant 0 : i32
      %dma_wait3A_218 = tpu.memref_slice %arg12[%dma_wait3A_216, %dma_wait3A_217] : memref<5120x64xf32, #tpu.memory_space<vmem_shared>> -> memref<128x64xf32, #tpu.memory_space<vmem_shared>>
      tpu.wait_dma2 semaphore(%run_scoped3A : memref<!tpu.dma_semaphore, #tpu.memory_space<semaphore_mem>>) src(%dma_wait3A_218 : memref<128x64xf32, #tpu.memory_space<vmem_shared>>) dst(%dma_wait3A_215 : memref<128x64xf32, #tpu.memory_space<hbm>>)
      tpu.yield
    }) : () -> ()
    %mul3A_204 = arith.constant 10240 : i32
    %mul3A_205 = arith.muli %arg0, %mul3A_204 : i32
    %add3A_206 = arith.addi %mul3A_205, %mul3A_0 : i32
    %add3A_207 = arith.constant 512 : i32
    %add3A_208 = arith.addi %add3A_206, %add3A_207 : i32
    "tpu.region"() ({
      %run_scoped3A = tpu.sem_alloc : memref<!tpu.dma_semaphore, #tpu.memory_space<semaphore_mem>>
      %dma_start3A_209 = arith.constant 0 : i32
      %dma_start3A_210 = tpu.memref_slice %arg7[%add3A_208, %dma_start3A_209] : memref<20480x64xf32, #tpu.memory_space<hbm>> -> memref<128x64xf32, #tpu.memory_space<hbm>>
      %dma_start3A_211 = arith.constant 512 : i32
      %dma_start3A_212 = arith.constant 0 : i32
      %dma_start3A_213 = tpu.memref_slice %arg12[%dma_start3A_211, %dma_start3A_212] : memref<5120x64xf32, #tpu.memory_space<vmem_shared>> -> memref<128x64xf32, #tpu.memory_space<vmem_shared>>
      tpu.enqueue_dma source(%dma_start3A_213 : memref<128x64xf32, #tpu.memory_space<vmem_shared>>) target(%dma_start3A_210 : memref<128x64xf32, #tpu.memory_space<hbm>>) target_semaphore(%run_scoped3A : memref<!tpu.dma_semaphore, #tpu.memory_space<semaphore_mem>>)
      %dma_wait3A_214 = arith.constant 0 : i32
      %dma_wait3A_215 = tpu.memref_slice %arg7[%add3A_208, %dma_wait3A_214] : memref<20480x64xf32, #tpu.memory_space<hbm>> -> memref<128x64xf32, #tpu.memory_space<hbm>>
      %dma_wait3A_216 = arith.constant 512 : i32
      %dma_wait3A_217 = arith.constant 0 : i32
      %dma_wait3A_218 = tpu.memref_slice %arg12[%dma_wait3A_216, %dma_wait3A_217] : memref<5120x64xf32, #tpu.memory_space<vmem_shared>> -> memref<128x64xf32, #tpu.memory_space<vmem_shared>>
      tpu.wait_dma2 semaphore(%run_scoped3A : memref<!tpu.dma_semaphore, #tpu.memory_space<semaphore_mem>>) src(%dma_wait3A_218 : memref<128x64xf32, #tpu.memory_space<vmem_shared>>) dst(%dma_wait3A_215 : memref<128x64xf32, #tpu.memory_space<hbm>>)
      tpu.yield
    }) : () -> ()
    return
  }
}

module attributes {stable_mosaic.version = 14 : i64} {
  func.func @_combine_body(%arg0: i32, %arg1: memref<2x640x64xf32, #tpu.memory_space<vmem>>, %arg2: memref<2x640x64xf32, #tpu.memory_space<vmem>>, %arg3: memref<2x640x64xf32, #tpu.memory_space<vmem>>, %arg4: memref<6x64x128xf32, #tpu.memory_space<vmem>>, %arg5: memref<1x128xf32, #tpu.memory_space<vmem>>, %arg6: memref<640x128xf32, #tpu.memory_space<vmem>>) attributes {dimension_semantics = [#tpu.dimension_semantics<arbitrary>], iteration_bounds = array<i64: 16>, scalar_prefetch = 0 : i64, scratch_operands = 0 : i64, tpu.core_type = #tpu.core_type<tc>, window_params = [{transform_indices = @transform_0, window_bounds = array<i64: 2, 640, 64>}, {transform_indices = @transform_1, window_bounds = array<i64: 2, 640, 64>}, {transform_indices = @transform_2, window_bounds = array<i64: 2, 640, 64>}, {pipeline_mode = #tpu.pipeline_mode<synchronous>, transform_indices = @transform_3, window_bounds = array<i64: 6, 64, 128>}, {pipeline_mode = #tpu.pipeline_mode<synchronous>, transform_indices = @transform_4, window_bounds = array<i64: 1, 128>}, {transform_indices = @transform_5, window_bounds = array<i64: 640, 128>}]} {
    %get3A = arith.constant 0 : index
    %get3A_0 = arith.constant 0 : index
    %get3A_1 = arith.constant 0 : index
    %get3A_2 = vector.load %arg1[%get3A, %get3A_0, %get3A_1] : memref<2x640x64xf32, #tpu.memory_space<vmem>>, vector<1x640x64xf32>
    %get3A_3 = vector.shape_cast %get3A_2 : vector<1x640x64xf32> to vector<640x64xf32>
    %get3A_4 = arith.constant 0 : index
    %get3A_5 = arith.constant 0 : index
    %get3A_6 = arith.constant 0 : index
    %get3A_7 = vector.load %arg4[%get3A_4, %get3A_5, %get3A_6] : memref<6x64x128xf32, #tpu.memory_space<vmem>>, vector<1x64x128xf32>
    %get3A_8 = vector.shape_cast %get3A_7 : vector<1x64x128xf32> to vector<64x128xf32>
    %dot_general3A = arith.constant dense<0.000000e+00> : vector<640x128xf32>
    %dot_general3A_9 = tpu.matmul %get3A_3, %get3A_8, %dot_general3A {dimension_numbers = #tpu.dot_dimension_numbers<[1], [0], [0], [1], [0, 0, 1, 1], [], []>, transpose_lhs_hint = false} : vector<640x64xf32>, vector<64x128xf32>, vector<640x128xf32> -> vector<640x128xf32>
    %get3A_10 = arith.constant 1 : index
    %get3A_11 = arith.constant 0 : index
    %get3A_12 = arith.constant 0 : index
    %get3A_13 = vector.load %arg1[%get3A_10, %get3A_11, %get3A_12] : memref<2x640x64xf32, #tpu.memory_space<vmem>>, vector<1x640x64xf32>
    %get3A_14 = vector.shape_cast %get3A_13 : vector<1x640x64xf32> to vector<640x64xf32>
    %get3A_15 = arith.constant 1 : index
    %get3A_16 = arith.constant 0 : index
    %get3A_17 = arith.constant 0 : index
    %get3A_18 = vector.load %arg4[%get3A_15, %get3A_16, %get3A_17] : memref<6x64x128xf32, #tpu.memory_space<vmem>>, vector<1x64x128xf32>
    %get3A_19 = vector.shape_cast %get3A_18 : vector<1x64x128xf32> to vector<64x128xf32>
    %dot_general3A_20 = arith.constant dense<0.000000e+00> : vector<640x128xf32>
    %dot_general3A_21 = tpu.matmul %get3A_14, %get3A_19, %dot_general3A_20 {dimension_numbers = #tpu.dot_dimension_numbers<[1], [0], [0], [1], [0, 0, 1, 1], [], []>, transpose_lhs_hint = false} : vector<640x64xf32>, vector<64x128xf32>, vector<640x128xf32> -> vector<640x128xf32>
    %add3A = arith.addf %dot_general3A_9, %dot_general3A_21 : vector<640x128xf32>
    %get3A_22 = arith.constant 0 : index
    %get3A_23 = arith.constant 0 : index
    %get3A_24 = arith.constant 0 : index
    %get3A_25 = vector.load %arg2[%get3A_22, %get3A_23, %get3A_24] : memref<2x640x64xf32, #tpu.memory_space<vmem>>, vector<1x640x64xf32>
    %get3A_26 = vector.shape_cast %get3A_25 : vector<1x640x64xf32> to vector<640x64xf32>
    %get3A_27 = arith.constant 2 : index
    %get3A_28 = arith.constant 0 : index
    %get3A_29 = arith.constant 0 : index
    %get3A_30 = vector.load %arg4[%get3A_27, %get3A_28, %get3A_29] : memref<6x64x128xf32, #tpu.memory_space<vmem>>, vector<1x64x128xf32>
    %get3A_31 = vector.shape_cast %get3A_30 : vector<1x64x128xf32> to vector<64x128xf32>
    %dot_general3A_32 = arith.constant dense<0.000000e+00> : vector<640x128xf32>
    %dot_general3A_33 = tpu.matmul %get3A_26, %get3A_31, %dot_general3A_32 {dimension_numbers = #tpu.dot_dimension_numbers<[1], [0], [0], [1], [0, 0, 1, 1], [], []>, transpose_lhs_hint = false} : vector<640x64xf32>, vector<64x128xf32>, vector<640x128xf32> -> vector<640x128xf32>
    %add3A_34 = arith.addf %add3A, %dot_general3A_33 : vector<640x128xf32>
    %get3A_35 = arith.constant 1 : index
    %get3A_36 = arith.constant 0 : index
    %get3A_37 = arith.constant 0 : index
    %get3A_38 = vector.load %arg2[%get3A_35, %get3A_36, %get3A_37] : memref<2x640x64xf32, #tpu.memory_space<vmem>>, vector<1x640x64xf32>
    %get3A_39 = vector.shape_cast %get3A_38 : vector<1x640x64xf32> to vector<640x64xf32>
    %get3A_40 = arith.constant 3 : index
    %get3A_41 = arith.constant 0 : index
    %get3A_42 = arith.constant 0 : index
    %get3A_43 = vector.load %arg4[%get3A_40, %get3A_41, %get3A_42] : memref<6x64x128xf32, #tpu.memory_space<vmem>>, vector<1x64x128xf32>
    %get3A_44 = vector.shape_cast %get3A_43 : vector<1x64x128xf32> to vector<64x128xf32>
    %dot_general3A_45 = arith.constant dense<0.000000e+00> : vector<640x128xf32>
    %dot_general3A_46 = tpu.matmul %get3A_39, %get3A_44, %dot_general3A_45 {dimension_numbers = #tpu.dot_dimension_numbers<[1], [0], [0], [1], [0, 0, 1, 1], [], []>, transpose_lhs_hint = false} : vector<640x64xf32>, vector<64x128xf32>, vector<640x128xf32> -> vector<640x128xf32>
    %add3A_47 = arith.addf %add3A_34, %dot_general3A_46 : vector<640x128xf32>
    %get3A_48 = arith.constant 0 : index
    %get3A_49 = arith.constant 0 : index
    %get3A_50 = arith.constant 0 : index
    %get3A_51 = vector.load %arg3[%get3A_48, %get3A_49, %get3A_50] : memref<2x640x64xf32, #tpu.memory_space<vmem>>, vector<1x640x64xf32>
    %get3A_52 = vector.shape_cast %get3A_51 : vector<1x640x64xf32> to vector<640x64xf32>
    %get3A_53 = arith.constant 4 : index
    %get3A_54 = arith.constant 0 : index
    %get3A_55 = arith.constant 0 : index
    %get3A_56 = vector.load %arg4[%get3A_53, %get3A_54, %get3A_55] : memref<6x64x128xf32, #tpu.memory_space<vmem>>, vector<1x64x128xf32>
    %get3A_57 = vector.shape_cast %get3A_56 : vector<1x64x128xf32> to vector<64x128xf32>
    %dot_general3A_58 = arith.constant dense<0.000000e+00> : vector<640x128xf32>
    %dot_general3A_59 = tpu.matmul %get3A_52, %get3A_57, %dot_general3A_58 {dimension_numbers = #tpu.dot_dimension_numbers<[1], [0], [0], [1], [0, 0, 1, 1], [], []>, transpose_lhs_hint = false} : vector<640x64xf32>, vector<64x128xf32>, vector<640x128xf32> -> vector<640x128xf32>
    %add3A_60 = arith.addf %add3A_47, %dot_general3A_59 : vector<640x128xf32>
    %get3A_61 = arith.constant 1 : index
    %get3A_62 = arith.constant 0 : index
    %get3A_63 = arith.constant 0 : index
    %get3A_64 = vector.load %arg3[%get3A_61, %get3A_62, %get3A_63] : memref<2x640x64xf32, #tpu.memory_space<vmem>>, vector<1x640x64xf32>
    %get3A_65 = vector.shape_cast %get3A_64 : vector<1x640x64xf32> to vector<640x64xf32>
    %get3A_66 = arith.constant 5 : index
    %get3A_67 = arith.constant 0 : index
    %get3A_68 = arith.constant 0 : index
    %get3A_69 = vector.load %arg4[%get3A_66, %get3A_67, %get3A_68] : memref<6x64x128xf32, #tpu.memory_space<vmem>>, vector<1x64x128xf32>
    %get3A_70 = vector.shape_cast %get3A_69 : vector<1x64x128xf32> to vector<64x128xf32>
    %dot_general3A_71 = arith.constant dense<0.000000e+00> : vector<640x128xf32>
    %dot_general3A_72 = tpu.matmul %get3A_65, %get3A_70, %dot_general3A_71 {dimension_numbers = #tpu.dot_dimension_numbers<[1], [0], [0], [1], [0, 0, 1, 1], [], []>, transpose_lhs_hint = false} : vector<640x64xf32>, vector<64x128xf32>, vector<640x128xf32> -> vector<640x128xf32>
    %add3A_73 = arith.addf %add3A_60, %dot_general3A_72 : vector<640x128xf32>
    %get3A_74 = arith.constant 0 : index
    %get3A_75 = arith.constant 0 : index
    %get3A_76 = vector.load %arg5[%get3A_74, %get3A_75] : memref<1x128xf32, #tpu.memory_space<vmem>>, vector<1x128xf32>
    %add3A_77 = vector.broadcast %get3A_76 : vector<1x128xf32> to vector<640x128xf32>
    %add3A_78 = arith.addf %add3A_73, %add3A_77 : vector<640x128xf32>
    %swap3A = arith.constant 0 : index
    %swap3A_79 = arith.constant 0 : index
    %swap3A_80 = vector.load %arg6[%swap3A, %swap3A_79] : memref<640x128xf32, #tpu.memory_space<vmem>>, vector<640x128xf32>
    tpu.vector_store %arg6[%swap3A, %swap3A_79], %add3A_78 {strides = array<i32>} : memref<640x128xf32, #tpu.memory_space<vmem>>, vector<640x128xf32>,
    return
  }
  func.func @transform_0(%arg0: i32) -> (i32, i32, i32) {
    %c0_i32 = arith.constant 0 : i32
    %c0_i32_0 = arith.constant 0 : i32
    %c0_i32_1 = arith.constant 0 : i32
    return %c0_i32, %arg0, %c0_i32_0 : i32, i32, i32
  }
  func.func @transform_1(%arg0: i32) -> (i32, i32, i32) {
    %c0_i32 = arith.constant 0 : i32
    %c0_i32_0 = arith.constant 0 : i32
    %c0_i32_1 = arith.constant 0 : i32
    return %c0_i32, %arg0, %c0_i32_0 : i32, i32, i32
  }
  func.func @transform_2(%arg0: i32) -> (i32, i32, i32) {
    %c0_i32 = arith.constant 0 : i32
    %c0_i32_0 = arith.constant 0 : i32
    %c0_i32_1 = arith.constant 0 : i32
    return %c0_i32, %arg0, %c0_i32_0 : i32, i32, i32
  }
  func.func @transform_3(%arg0: i32) -> (i32, i32, i32) {
    %c0_i32 = arith.constant 0 : i32
    %c0_i32_0 = arith.constant 0 : i32
    %c0_i32_1 = arith.constant 0 : i32
    %c0_i32_2 = arith.constant 0 : i32
    return %c0_i32, %c0_i32_0, %c0_i32_1 : i32, i32, i32
  }
  func.func @transform_4(%arg0: i32) -> (i32, i32) {
    %c0_i32 = arith.constant 0 : i32
    %c0_i32_0 = arith.constant 0 : i32
    %c0_i32_1 = arith.constant 0 : i32
    return %c0_i32, %c0_i32_0 : i32, i32
  }
  func.func @transform_5(%arg0: i32) -> (i32, i32) {
    %c0_i32 = arith.constant 0 : i32
    %c0_i32_0 = arith.constant 0 : i32
    return %arg0, %c0_i32 : i32, i32
  }
}

</mosaic_0001>

<sc_bundles>
// kernel: kernel.4.cloned.1.call-start
scs
__scs_entry_jumppad:
0x0: {  	(pc) =	sbr.rel $0x88, $3  }
0x1: {  	(tag) =	ssettag $0x0;
	lr =	simm.s32 $0x1  }
0x2: {  	[smem:$0x3F9C] =	sst lr;
	_ =	strace $0xD0000000  }
0x3: {  	_ = 	snop  }
0x4: {  	_ = 	snop  }
0x5: {  	_ = 	snop  }
0x6: {  	_ = 	snop  }
0x7: {  	_ = 	snop  }
__scs_overlays_trampoline_lowered:
0x8: {  	[smem:$0x3FAB] =	sst s0  }
0x9: {  	[smem:$0x3FAC] =	sst s1  }
0xa: {  	[smem:$0x3FAD] =	sst s2  }
0xb: {  	[smem:$0x3FAE] =	sst s3  }
0xc: {  	[smem:$0x3FAF] =	sst s4  }
0xd: {  	[smem:$0x3FB0] =	sst s5  }
0xe: {  	[smem:$0x3FB1] =	sst s6  }
0xf: {  	[smem:$0x3FB2] =	sst s7  }
0x10: {  	[smem:$0x3FB3] =	sst s8  }
0x11: {  	[smem:$0x3FB4] =	sst s9;
	s0 =	simm.s32 @!p0 $0x0  }
0x12: {  	s1 =	sld [smem:$0x3F9A];
	s0 =	simm.s32 @p0 $0x1  }
0x13: {  	[smem:$0x3FB5] =	sst s0;
	s0 =	simm.s32 @!p1 $0x0  }
0x14: {  	s2 =	sld [smem:$0x3F99];
	s0 =	simm.s32 @p1 $0x1  }
0x15: {  	[smem:$0x3FB6] =	sst s0;
	s0 =	simm.s32 @!p2 $0x0  }
0x16: {  	s3 =	sld [smem:$0x3FDB];
	s0 =	simm.s32 @p2 $0x1  }
0x17: {  	s4 =	simm.s32 $0x1BF5;
	[smem:$0x3FB8] =	sst s0  }
0x18: {  	s0 =	sld [smem:$0x3F9B];
	_ =	swait.ge [sflag:s4], $0x0  }
0x19: {  	s7 =	sld [smem:$0x3F9C]  }
0x1a: {  	s8 =	sadd.s32 $0xFFFFE003, lr  }
0x1b: {  	s9 =	sadd.s32 $0xFFFFFEF7, lr;
	s5 =	simm.s32 $0xFFFFFFFF;
	p2 =	slt.u32 s8, $0xFFFFF086  }
0x1c: {  	p1 =	slt.u32 s9, $0xF7A;
	s5 =	simm.s32 @!p2 $0x0  }
0x1d: {  	s5 =	simm.s32 @p1 $0x1;
	p0 =	seq.s32 s7, s2  }
0x1e: {  	s7 =	smul.u32 @!p0 $0xF7A, s2;
	p2 =	seq.s32 @!p0 s5, $0x0  }
0x1f: {  	s9 =	smul.u32 $0xF7A, s1;
	s8 =	simm.s32 @!p0 $0x1BF5;
	p2 =	por !p2, p0  }
0x20: {  	[sflag:s8] =	ssyncset.s32 @!p0 $0xFFFFF086;
	s6 =	sadd.s32 @!p0 s3, s7;
	s7 =	simm.s32 @!p0 $0x108  }
0x21: {  	s3 =	sadd.s32 s3, s9;
	s6 =	sadd.s32 @!p0 $0x88, s6;
	s7 =	simm.s32 @p2 $0x1082  }
0x22: {  	[simem:s7], [sflag:s8] =	dma.local @!p0 [hbm:s6], $0xF7A  }
0x23: {  	s9 =	sor.u32 $0xD0000000, s2;
	s6 =	simm.s32 $0x108;
	_ =	swait.ge @!p0 [sflag:s8], $0x0  }
0x24: {  	s3 =	sadd.s32 $0x88, s3;
	s6 =	simm.s32 @!p1 $0x1082;
	[sflag:s4] =	ssyncset.s32 $0xFFFFF086  }
0x25: {  	[simem:s6], [sflag:s4] =	dma.local [hbm:s3], $0xF7A  }
0x26: {  	[smem:$0x3F9C] =	sst s1;
	(tag) =	ssettag s2;
	_ =	strace s9  }
0x27: {  	s1 =	sld [smem:$0x3FAC]  }
0x28: {  	s2 =	sld [smem:$0x3FAD]  }
0x29: {  	s4 =	sld [smem:$0x3FAF]  }
0x2a: {  	p0 =	seq.s32 s5, $0x0;
	s5 =	sld [smem:$0x3FB0]  }
0x2b: {  	s6 =	sld [smem:$0x3FB1]  }
0x2c: {  	s7 =	sld [smem:$0x3FB2]  }
0x2d: {  	s3 =	simm.s32 $0x108;
	s8 =	sld [smem:$0x3FB3]  }
0x2e: {  	s3 =	simm.s32 @!p0 $0x1082;
	s9 =	sld [smem:$0x3FB4]  }
0x2f: {  	lr =	sadd.s32 s0, s3;
	s0 =	sld [smem:$0x3FAB]  }
0x30: {  	s3 =	sld [smem:$0x3FAE]  }
0x31: {  	[smem:$0x3FB7] =	sst s10  }
0x32: {  	s10 =	sld [smem:$0x3FB5];
	_ =	sdelay $0x3  }
0x33: {  	p0 =	seq.s32 s10, $0x1;
	s10 =	sld [smem:$0x3FB7];
	_ =	sdelay $0x3  }
0x34: {  	[smem:$0x3FB7] =	sst s10  }
0x35: {  	s10 =	sld [smem:$0x3FB6];
	_ =	sdelay $0x3  }
0x36: {  	p1 =	seq.s32 s10, $0x1;
	s10 =	sld [smem:$0x3FB7];
	_ =	sdelay $0x3  }
0x37: {  	[smem:$0x3FB7] =	sst s10  }
0x38: {  	s10 =	sld [smem:$0x3FB8]  }
0x39: {  	_ = 	snop;
	(pc) =	sbr.ind lr, $3  }
0x3a: {  	_ = 	snop  }
0x3b: {  	_ = 	snop  }
0x3c: {  	p2 =	seq.s32 s10, $0x1;
	s10 =	sld [smem:$0x3FB7]  }
0x3d: {  	_ =	shalt  }
0x3e: {  	_ =	shalt  }
0x3f: {  	_ =	shalt  }
0x40: {  	_ =	shalt  }
0x41: {  	_ =	shalt  }
0x42: {  	_ =	shalt  }
0x43: {  	_ =	shalt  }
0x44: {  	_ =	shalt  }
0x45: {  	_ =	shalt  }
0x46: {  	_ =	shalt  }
0x47: {  	_ =	shalt  }
0x48: {  	_ =	shalt  }
0x49: {  	_ =	shalt  }
0x4a: {  	_ =	shalt  }
0x4b: {  	_ =	shalt  }
0x4c: {  	_ =	shalt  }
0x4d: {  	_ =	shalt  }
0x4e: {  	_ =	shalt  }
0x4f: {  	_ =	shalt  }
0x50: {  	_ =	shalt  }
0x51: {  	_ =	shalt  }
0x52: {  	_ =	shalt  }
0x53: {  	_ =	shalt  }
0x54: {  	_ =	shalt  }
0x55: {  	_ =	shalt  }
0x56: {  	_ =	shalt  }
0x57: {  	_ =	shalt  }
0x58: {  	_ =	shalt  }
0x59: {  	_ =	shalt  }
0x5a: {  	_ =	shalt  }
0x5b: {  	_ =	shalt  }
0x5c: {  	_ =	shalt  }
0x5d: {  	_ =	shalt  }
0x5e: {  	_ =	shalt  }
0x5f: {  	_ =	shalt  }
0x60: {  	_ =	shalt  }
0x61: {  	_ =	shalt  }
0x62: {  	_ =	shalt  }
0x63: {  	_ =	shalt  }
0x64: {  	_ =	shalt  }
0x65: {  	_ =	shalt  }
0x66: {  	_ =	shalt  }
0x67: {  	_ =	shalt  }
0x68: {  	_ =	shalt  }
0x69: {  	_ =	shalt  }
0x6a: {  	_ =	shalt  }
0x6b: {  	_ =	shalt  }
0x6c: {  	_ =	shalt  }
0x6d: {  	_ =	shalt  }
0x6e: {  	_ =	shalt  }
0x6f: {  	_ =	shalt  }
0x70: {  	_ =	shalt  }
0x71: {  	_ =	shalt  }
0x72: {  	_ =	shalt  }
0x73: {  	_ =	shalt  }
0x74: {  	_ =	shalt  }
0x75: {  	_ =	shalt  }
0x76: {  	_ =	shalt  }
0x77: {  	_ =	shalt  }
0x78: {  	_ =	shalt  }
0x79: {  	_ =	shalt  }
0x7a: {  	_ =	shalt  }
0x7b: {  	_ =	shalt  }
0x7c: {  	_ =	shalt  }
0x7d: {  	_ =	shalt  }
0x7e: {  	_ =	shalt  }
0x7f: {  	_ =	shalt  }
0x80: {  	_ =	shalt  }
0x81: {  	_ =	shalt  }
0x82: {  	_ =	shalt  }
0x83: {  	_ =	shalt  }
0x84: {  	_ =	shalt  }
0x85: {  	_ =	shalt  }
0x86: {  	_ =	shalt  }
0x87: {  	_ =	shalt  }
.Lfunc_end0:
.L_simem_size_0:
called_computation_lowered:
.L_overlay_start_0:
0x88: {  	s2 =	sld [smem:$0x3FD9]  }
0x89: {  	s3 =	sld [smem:$0x3FFE];
	_ =	sdelay $0x1  }
0x8a: {  	s1 =	srdreg.scid  }
0x8b: {  	s0 =	sand.u32 $0x1, s1  }
0x8c: {  	s17 =	sshll.u32 s0, $0xA;
	s2 =	sadd.s32 s3, s2  }
0x8d: {  	s2 =	sadd.s32 s2, s17  }
0x8e: {  	[smem:$0x3FC3] =	sst s2  }
0x8f: {  	_ = 	snop  }
0x90: {  	s2 =	sld [smem:$0x3FD0];
	(tm) =	ssettm $0x1  }
0x91: {  	s18 =	sld [smem:$0x3FFB];
	_ =	sdelay $0x3  }
0x92: {  	_ =	strace s18  }
0x93: {  	s3 =	sld [smem:$0x3FFC];
	_ =	sdelay $0x3  }
0x94: {  	_ =	strace s3  }
0x95: {  	s3 =	sld [smem:$0x3FFD];
	_ =	sdelay $0x3  }
0x96: {  	_ =	strace s3  }
0x97: {  	_ =	strace $0x8FFFFFFF  }
0x98: {  	s19 =	sld [smem:$0x3FDB];
	_ =	sdelay $0x1  }
0x99: {  	s4 =	simm.s32 $_scs_section_size  }
0x9a: {  	s5 =	simm.s32 $_size__tile_overlayer_lowered;
	s6 =	simm.s32 $_tile_overlayer_lowered  }
0x9b: {  	s22 =	simm.s32 $0x1BFF;
	s21 =	sshll.u32 s6, $0x1;
	s3 =	sadd.s32 s4, s19  }
0x9c: {  	s7 =	simm.s32 $0x0;
	s20 =	sshll.u32 s5, $0x1;
	s5 =	sadd.s32 s21, s3  }
0x9d: {  	[timem:s7], [sflag:s22] =	dma.local [hbm:s5], s20  }
0x9e: {  	_ =	swait.ge [sflag:s22], s20  }
0x9f: {  	s4 =	ssub.s32 $0x0, s20;
	[sflag:s22] =	ssyncset.done $0x0  }
0xa0: {  	[sflag:s22] =	ssyncadd.s32 s4;
	_ =	sdelay $0x1  }
0xa1: {  	s23 =	simm.s32 $0x1B8B  }
0xa2: {  	_ =	swait.ge [sflag:s23], $0x1  }
0xa3: {  	[sflag:s23] =	ssyncset.done $0x0  }
0xa4: {  	s25 =	simm.s32 $0x1B8E;
	s24 =	sld [smem:$0x3FFE];
	[sflag:s23] =	ssyncadd.s32 $0xFFFFFFFF  }
0xa5: {  	s26 =	simm.s32 $execute0_lowered;
	[smem:$0x3FD2] =	sst s25  }
0xa6: {  	s5 =	sshll.u32 s26, $0x1;
	_ =	strace $0x80000046;
	[dreg:$0x1] =	wrdreg $0xFFFFFFFF  }
0xa7: {  	s28 =	simm.s32 $_size_execute0_lowered;
	s3 =	sadd.s32 s3, s5;
	[dreg:$0x0] =	wrdreg $0x0  }
0xa8: {  	s5 =	sshll.u32 s28, $0x1;
	[dreg:$0x2] =	wrdreg s3  }
0xa9: {  	[dreg:$0x3] =	wrdreg s5  }
0xaa: {  	[dreg:$0x4] =	wrdreg $0xC0  }
0xab: {  	_ =	task [dreg:s7], $0x5FFFF  }
0xac: {  	[dreg:$0x1] =	wrdreg $0xFFFFFFFF  }
0xad: {  	[dreg:$0x0] =	wrdreg $0x60  }
0xae: {  	[dreg:$0x2] =	wrdreg s2  }
0xaf: {  	[dreg:$0x3] =	wrdreg s24  }
0xb0: {  	[dreg:$0x4] =	wrdreg $0x1AE800  }
0xb1: {  	[dreg:$0x5] =	wrdreg $0x9  }
0xb2: {  	_ =	task.clear_ibuf [dreg:s7], $0x6FFFF;
	_ =	strace $0x90000046  }
0xb3: {  	s29 =	simm.s32 $0x9;
	_ =	strace $0x80000048  }
0xb4: {  	_ =	swait.ge [sflag:s29], $0x1  }
0xb5: {  	[sflag:s29] =	ssyncadd.s32 $0xFFFFFFFF  }
0xb6: {  	_ =	strace $0x90000048  }
0xb7: {  	_ =	sfence  }
0xb8: {  	s30 =	sld [smem:$0x0];
	_ =	sdelay $0x2  }
0xb9: {  	s31 =	sshll.u32 s1, $0xD;
	s1 =	sshrl.u32 s1, $0x2  }
0xba: {  	s3 =	sand.u32 $0x4000, s31;
	s1 =	sadd.s32 s1, s30  }
0xbb: {  	s0 =	sor.u32 s3, s0;
	s1 =	sshll.u32 s1, $0x11  }
0xbc: {  	s0 =	sor.u32 s1, s0  }
0xbd: {  	s0 =	sadd.s32 $0x8F2B, s0  }
0xbe: {  	[sflag:s0] =	ssyncadd.remote.s32 $0x1  }
0xbf: {  	_ =	sfence.sel $0xFFFF  }
0xc0: {  	[dreg:$0x0] =	wrdreg $0xFFFFFFFF;
	(pc) =	sbr.abs _section_cstart, $3  }
0xc1: {  	[dreg:$0x1] =	wrdreg $0xFFFFFFFF  }
0xc2: {  	_ =	task.clear_ibuf [dreg:s7], $0x2FFFF;
	_ =	strace $0x9FFFFFFF  }
0xc3: {  	(tm) =	ssettm $0x7FFFFFFF  }
tec
execute0_lowered:
.L_overlay_start_1:
0x0: {  	(tag) =	ssettag $0x1  }
0x1: {  	s1 =	rddreg [dreg:$0x0]  }
0x2: {  	s5 =	rddreg [dreg:$0x1]  }
0x3: {  	s0 =	stileid.u32;
	s3 =	srdreg.scid  }
0x4: {  	s2 =	rddreg [dreg:$0x2];
	s14 =	simm.s32 $0x4;
	s15 =	simm.s32 $0x4F80  }
0x5: {  	s16 =	simm.s32 $0x9F00;
	s17 =	simm.s32 $0x80;
	s18 =	simm.s32 $0xEE80  }
0x6: {  	s19 =	simm.s32 $0x12E80;
	s20 =	simm.s32 $0x100;
	s21 =	simm.s32 $0x16E80  }
0x7: {  	s28 =	simm.s32 $0x2;
	s29 =	simm.s32 $0x3;
	s30 =	simm.s32 $0x0  }
0x8: {  	s4 =	sand.u32 $0x1, s3;
	s6 =	smul.u32 $0x280, s0;
	s3 =	simm.s32 $0x0  }
0x9: {  	s8 =	smul.u32 $0x9F0, s0;
	s31 =	sadd.s32 $0x2000, s2;
	s23 =	sadd.s32 $0x4000, s2  }
0xa: {  	s24 =	sadd.s32 $0x6000, s2;
	s7 =	smul.u32 $0x2800, s4;
	[smem:$0x7FF] =	sst s3  }
0xb: {  	s9 =	ssub.s32 $0x2, s4;
	s4 =	sadd.s32 $0x15400, s5;
	s22 =	sshrl.u32 s31, $0x3  }
0xc: {  	s23 =	sshrl.u32 s23, $0x3;
	s24 =	sshrl.u32 s24, $0x3;
	_ =	strace $0x80000047  }
0xd: {  	s25 =	sadd.s32 s8, s5;
	s26 =	sshrl.u32 s9, $0x1;
	s6 =	sadd.s32 s6, s7  }
0xe: {  	s13 =	ssub.s32 s9, s26;
	s7 =	sadd.s32 $0xB400, s25;
	s6 =	sshll.u32 s6, $0x3  }
0xf: {  	s26 =	simm.s32 $0x1;
	s13 =	smax.u32 s13, $0x1;
	s12 =	sadd.s32 s6, s5  }
0x10: {  	s5 =	sadd.s32 s1, s8;
	s6 =	sadd.s32 $0x1400, s25;
	s25 =	sadd.s32 $0x8000, s2  }
0x11: {  	s8 =	sadd.s32 $0x3D400, s12;
	s9 =	sadd.s32 $0x3D800, s12;
	s10 =	sadd.s32 $0x3DC00, s12  }
0x12: {  	s11 =	sadd.s32 $0x3E000, s12;
	s12 =	sadd.s32 $0x3E400, s12;
	s25 =	sshrl.u32 s25, $0x3  }
.LBB2_1:
0x13: {  	[tilespmem:s3], [sflag:$0x4] =	stream.linear.gather [hbm4b:s5+s3], $0x4F80, $0x38;
	[tilespmem:$0x1FE80] =	vst v63  }
0x14: {  	_ =	swait.ge [sflag:s14], $0x4F80  }
0x15: {  	[sflag:s14] =	ssyncset.done $0x0  }
0x16: {  	[sflag:s14] =	ssyncadd.s32 $0xFFFFB080  }
0x17: {  	[tilespmem:s15], [sflag:$0x4] =	stream.linear.gather [hbm4b:s6+s3], $0x4F80, $0x38;
	[tilespmem:$0x1FE80] =	vst v63  }
0x18: {  	_ =	swait.ge [sflag:s14], $0x4F80  }
0x19: {  	[sflag:s14] =	ssyncset.done $0x0  }
0x1a: {  	[sflag:s14] =	ssyncadd.s32 $0xFFFFB080  }
0x1b: {  	[tilespmem:s16], [sflag:$0x4] =	stream.linear.gather [hbm4b:s7+s3], $0x4F80, $0x38;
	[tilespmem:$0x1FE80] =	vst v63  }
0x1c: {  	_ =	swait.ge [sflag:s14], $0x4F80  }
0x1d: {  	[sflag:s14] =	ssyncset.done $0x0  }
0x1e: {  	[sflag:s14] =	ssyncadd.s32 $0xFFFFB080  }
0x1f: {  	[bflag:$0x0] =	sbarrier.arrive $0xFFFF  }
0x20: {  	[tilespmem:s18], [sflag:$0x1] =	stream.indirect.gather [hbm4b:s4+s17], $0x80, s3, s17, $0xb8;
	[tilespmem:$0x1FE80] =	vst v63  }
0x21: {  	_ = 	snop  }
0x22: {  	[tilespmem:s19], [sflag:$0x2] =	stream.indirect.gather [hbm4b:s4+s17], $0x80, s17, s17, $0xb8;
	[tilespmem:$0x1FE80] =	vst v63  }
0x23: {  	_ = 	snop  }
0x24: {  	[tilespmem:s21], [sflag:$0x3] =	stream.indirect.gather [hbm4b:s4+s17], $0x80, s20, s17, $0xb8;
	[tilespmem:$0x1FE80] =	vst v63  }
0x25: {  	_ =	swait.ge [sflag:s26], $0x4000  }
0x26: {  	[sflag:s26] =	ssyncset.done $0x0  }
0x27: {  	[sflag:s26] =	ssyncadd.s32 $0xFFFFC000  }
0x28: {  	_ =	swait.ge [sflag:s28], $0x4000  }
0x29: {  	[sflag:s28] =	ssyncset.done $0x0  }
0x2a: {  	[sflag:s28] =	ssyncadd.s32 $0xFFFFC000  }
0x2b: {  	_ =	swait.ge [sflag:s29], $0x4000  }
0x2c: {  	[sflag:s29] =	ssyncset.done $0x0  }
0x2d: {  	s1 =	simm.s32 $0x180;
	[sflag:s29] =	ssyncadd.s32 $0xFFFFC000  }
0x2e: {  	[tilespmem:s18], [sflag:$0x1] =	stream.indirect.gather [hbm4b:s4+s17], $0x80, s1, s17, $0xb8;
	[tilespmem:$0x1FE80] =	vst v63  }
0x2f: {  	s0 =	simm.s32 $0x200;
	s31 =	simm.s32 $0xFFFECE00;
	s1 =	simm.s32 $0x280  }
0x30: {  	[tilespmem:s19], [sflag:$0x2] =	stream.indirect.gather [hbm4b:s4+s17], $0x80, s0, s17, $0xb8;
	[tilespmem:$0x1FE80] =	vst v63  }
.LBB2_2:
0x31: {  	[tilespmem:s21], [sflag:$0x3] =	stream.indirect.gather [hbm4b:s4+s17], $0x80, s1, s17, $0xb8;
	[tilespmem:$0x1FE80] =	vst v63  }
0x32: {  	s1 =	smov.u32 s31  }
0x33: {  	p0 =	sne.s32 s31, $0xFFFFFA00;
	s31 =	sadd.s32 $0x600, s31;
	_ =	swait.ge [sflag:s26], $0x4000  }
0x34: {  	[sflag:s26] =	ssyncset.done $0x0  }
0x35: {  	[sflag:s26] =	ssyncadd.s32 $0xFFFFC000  }
0x36: {  	_ =	swait.ge [sflag:s28], $0x4000  }
0x37: {  	[sflag:s28] =	ssyncset.done $0x0  }
0x38: {  	[sflag:s28] =	ssyncadd.s32 $0xFFFFC000  }
0x39: {  	_ =	swait.ge [sflag:s29], $0x4000  }
0x3a: {  	s1 =	sshra.s32 s1, $0x2;
	[sflag:s29] =	ssyncset.done $0x0  }
.Ltmp0:
0x3b: {  	s0 =	sadd.s32 $0x4F80, s1;
	[sflag:s29] =	ssyncadd.s32 $0xFFFFC000;
	(pc) =	sbr.rel @p0 .LBB2_2-.Ltmp0, $4  }
0x3c: {  	[tilespmem:s18], [sflag:$0x1] =	stream.indirect.gather [hbm4b:s4+s17], $0x80, s0, s17, $0xb8;
	[tilespmem:$0x1FE80] =	vst v63  }
0x3d: {  	s0 =	sadd.s32 $0x5000, s1  }
0x3e: {  	[tilespmem:s19], [sflag:$0x2] =	stream.indirect.gather [hbm4b:s4+s17], $0x80, s0, s17, $0xb8;
	[tilespmem:$0x1FE80] =	vst v63  }
0x3f: {  	s1 =	sadd.s32 $0x5080, s1  }
0x40: {  	[tilespmem:s21], [sflag:$0x3] =	stream.indirect.gather [hbm4b:s4+s17], $0x80, s1, s17, $0xb8;
	[tilespmem:$0x1FE80] =	vst v63  }
0x41: {  	_ =	swait.ge [sflag:s26], $0x4000  }
0x42: {  	[sflag:s26] =	ssyncset.done $0x0  }
0x43: {  	[sflag:s26] =	ssyncadd.s32 $0xFFFFC000  }
0x44: {  	_ =	swait.ge [sflag:s28], $0x4000  }
0x45: {  	[sflag:s28] =	ssyncset.done $0x0  }
0x46: {  	[sflag:s28] =	ssyncadd.s32 $0xFFFFC000  }
0x47: {  	_ =	swait.ge [sflag:s29], $0x4000  }
0x48: {  	[sflag:s29] =	ssyncset.done $0x0  }
0x49: {  	[sflag:s29] =	ssyncadd.s32 $0xFFFFC000  }
0x4a: {  	[bflag:$0x0] =	sbarrier.arrive $0xFFFF  }
0x4b: {  	[bflag:$0x0] =	sbarrier.arrive $0xFFFF  }
0x4c: {  	[tilespmem:s18], [sflag:$0x1] =	stream.indirect.gather [hbm4b:s4+s17], $0x80, s3, s17, $0xb8;
	[tilespmem:$0x1FE80] =	vst v63  }
0x4d: {  	_ = 	snop  }
0x4e: {  	[tilespmem:s19], [sflag:$0x2] =	stream.indirect.gather [hbm4b:s4+s17], $0x80, s17, s17, $0xb8;
	[tilespmem:$0x1FE80] =	vst v63  }
0x4f: {  	_ = 	snop  }
0x50: {  	[tilespmem:s21], [sflag:$0x3] =	stream.indirect.gather [hbm4b:s4+s17], $0x80, s20, s17, $0xb8;
	[tilespmem:$0x1FE80] =	vst v63  }
0x51: {  	_ =	swait.ge [sflag:s26], $0x4000  }
0x52: {  	[sflag:s26] =	ssyncset.done $0x0  }
0x53: {  	[sflag:s26] =	ssyncadd.s32 $0xFFFFC000  }
0x54: {  	_ =	swait.ge [sflag:s28], $0x4000  }
0x55: {  	[sflag:s28] =	ssyncset.done $0x0  }
0x56: {  	[sflag:s28] =	ssyncadd.s32 $0xFFFFC000  }
0x57: {  	_ =	swait.ge [sflag:s29], $0x4000  }
0x58: {  	[sflag:s29] =	ssyncset.done $0x0  }
0x59: {  	s0 =	simm.s32 $0x180;
	[sflag:s29] =	ssyncadd.s32 $0xFFFFC000  }
0x5a: {  	[tilespmem:s18], [sflag:$0x1] =	stream.indirect.gather [hbm4b:s4+s17], $0x80, s0, s17, $0xb8;
	[tilespmem:$0x1FE80] =	vst v63  }
0x5b: {  	s1 =	simm.s32 $0x200  }
0x5c: {  	[tilespmem:s19], [sflag:$0x2] =	stream.indirect.gather [hbm4b:s4+s17], $0x80, s1, s17, $0xb8;
	[tilespmem:$0x1FE80] =	vst v63  }
0x5d: {  	s31 =	simm.s32 $0xFFFECE00;
	s1 =	simm.s32 $0x280  }
.LBB2_4:
0x5e: {  	[tilespmem:s21], [sflag:$0x3] =	stream.indirect.gather [hbm4b:s4+s17], $0x80, s1, s17, $0xb8;
	[tilespmem:$0x1FE80] =	vst v63  }
0x5f: {  	s0 =	smov.u32 s31  }
0x60: {  	p0 =	sne.s32 s31, $0xFFFFFA00;
	s31 =	sadd.s32 $0x600, s31;
	_ =	swait.ge [sflag:s26], $0x4000  }
0x61: {  	[sflag:s26] =	ssyncset.done $0x0  }
0x62: {  	[sflag:s26] =	ssyncadd.s32 $0xFFFFC000  }
0x63: {  	_ =	swait.ge [sflag:s28], $0x4000  }
0x64: {  	[sflag:s28] =	ssyncset.done $0x0  }
0x65: {  	[sflag:s28] =	ssyncadd.s32 $0xFFFFC000  }
0x66: {  	_ =	swait.ge [sflag:s29], $0x4000  }
0x67: {  	s0 =	sshra.s32 s0, $0x2;
	[sflag:s29] =	ssyncset.done $0x0  }
.Ltmp1:
0x68: {  	s1 =	sadd.s32 $0x4F80, s0;
	[sflag:s29] =	ssyncadd.s32 $0xFFFFC000;
	(pc) =	sbr.rel @p0 .LBB2_4-.Ltmp1, $4  }
0x69: {  	[tilespmem:s18], [sflag:$0x1] =	stream.indirect.gather [hbm4b:s4+s17], $0x80, s1, s17, $0xb8;
	[tilespmem:$0x1FE80] =	vst v63  }
0x6a: {  	s1 =	sadd.s32 $0x5000, s0  }
0x6b: {  	[tilespmem:s19], [sflag:$0x2] =	stream.indirect.gather [hbm4b:s4+s17], $0x80, s1, s17, $0xb8;
	[tilespmem:$0x1FE80] =	vst v63  }
0x6c: {  	s1 =	sadd.s32 $0x5080, s0  }
0x6d: {  	[tilespmem:s21], [sflag:$0x3] =	stream.indirect.gather [hbm4b:s4+s17], $0x80, s1, s17, $0xb8;
	[tilespmem:$0x1FE80] =	vst v63  }
0x6e: {  	_ =	swait.ge [sflag:s26], $0x4000  }
0x6f: {  	[sflag:s26] =	ssyncset.done $0x0  }
0x70: {  	[sflag:s26] =	ssyncadd.s32 $0xFFFFC000  }
0x71: {  	_ =	swait.ge [sflag:s28], $0x4000  }
0x72: {  	[sflag:s28] =	ssyncset.done $0x0  }
0x73: {  	[sflag:s28] =	ssyncadd.s32 $0xFFFFC000  }
0x74: {  	_ =	swait.ge [sflag:s29], $0x4000  }
0x75: {  	s0 =	stileid.u32;
	[sflag:s29] =	ssyncset.done $0x0  }
0x76: {  	s0 =	sshll.u32 s0, $0x6;
	[sflag:s29] =	ssyncadd.s32 $0xFFFFC000  }
0x77: {  	s31 =	sshrl.u32 s2, $0x3;
	s0 =	sor.u32 $0x1C04, s0;
	[bflag:$0x0] =	sbarrier.arrive $0xFFFF  }
0x78: {  	[hbm:s8], [sflag:s0] =	dma.local [spmem:s31], $0x400  }
0x79: {  	_ =	swait.ge [sflag:s14], $0x400  }
0x7a: {  	[sflag:s14] =	ssyncset.done $0x0  }
0x7b: {  	[sflag:s14] =	ssyncadd.s32 $0xFFFFFC00  }
0x7c: {  	[hbm:s9], [sflag:s0] =	dma.local [spmem:s22], $0x400  }
0x7d: {  	_ =	swait.ge [sflag:s14], $0x400  }
0x7e: {  	[sflag:s14] =	ssyncset.done $0x0  }
0x7f: {  	[sflag:s14] =	ssyncadd.s32 $0xFFFFFC00  }
0x80: {  	[hbm:s10], [sflag:s0] =	dma.local [spmem:s23], $0x400  }
0x81: {  	_ =	swait.ge [sflag:s14], $0x400  }
0x82: {  	[sflag:s14] =	ssyncset.done $0x0  }
0x83: {  	[sflag:s14] =	ssyncadd.s32 $0xFFFFFC00  }
0x84: {  	[hbm:s11], [sflag:s0] =	dma.local [spmem:s24], $0x400  }
0x85: {  	s30 =	sadd.s32 $0x1, s30;
	_ =	swait.ge [sflag:s14], $0x400  }
0x86: {  	p0 =	sne.s32 s30, s13;
	[sflag:s14] =	ssyncset.done $0x0  }
.Ltmp2:
0x87: {  	[sflag:s14] =	ssyncadd.s32 $0xFFFFFC00;
	(pc) =	sbr.rel @p0 .LBB2_1-.Ltmp2, $4  }
0x88: {  	[hbm:s12], [sflag:s0] =	dma.local [spmem:s25], $0x400  }
0x89: {  	_ =	swait.ge [sflag:s14], $0x400  }
0x8a: {  	[sflag:s14] =	ssyncset.done $0x0  }
0x8b: {  	[sflag:s14] =	ssyncadd.s32 $0xFFFFFC00  }
0x8c: {  	_ =	sfence.sel $0x180000  }
0x8d: {  	[bflag:$0x0] =	sbarrier.arrive $0xFFFF  }
0x8e: {  	_ =	strace $0x90000047  }
0x8f: {  	s0 =	stileid.u32;
	[bflag:$0x2] =	sbarrier.arrive $0xFFFF  }
0x90: {  	p0 =	sne.s32 s0, $0x0;
	s0 =	rddreg [dreg:$0x3]  }
0x91: {  	s0 =	sadd.s32 @!p0 $0x100000, s0  }
0x92: {  	[sflag:s0] =	ssyncadd.tile.s32 @!p0 $0x1;
	_ =	shalt  }
.Lfunc_end2:
_tile_overlayer_lowered:
.L_overlay_start_2:
0x93: {  	(tag) =	ssettag $0x2  }
0x94: {  	s0 =	rddreg [dreg:$0x0];
	s2 =	stileid.u32  }
0x95: {  	s1 =	rddreg [dreg:$0x1];
	p0 =	sne.s32 s2, $0x0  }
0x96: {  	s3 =	rddreg [dreg:$0x2];
	[bflag:$0x3] =	sbarrier.arrive $0xFFFF;
	s2 =	simm.s32 @!p0 $0x1C04  }
0x97: {  	[timem:s3], [sflag:s2] =	dma.local @!p0 [hbm:s0], s1  }
0x98: {  	s0 =	simm.s32 @!p0 $0x4  }
0x99: {  	_ =	swait.ge @!p0 [sflag:s0], s1  }
0x9a: {  	s1 =	ssub.s32 @!p0 $0x0, s1;
	[sflag:s0] =	ssyncset.done @!p0 $0x0  }
0x9b: {  	[sflag:s0] =	ssyncadd.s32 @!p0 s1  }
0x9c: {  	[bflag:$0x3] =	sbarrier.arrive $0xFFFF  }
0x9d: {  	_ =	shalt  }

</sc_bundles>
